<compile_context>
chip_gen: v7x
topology: tpu7x:2x2x1
jax: 0.10.2.dev20260603
libtpu: 0.0.44.dev20260713+nightly
codegen_flags: <defaults>
</compile_context>

<pallas_src>
import dataclasses
import functools

import jax
import jax.numpy as jnp
from jax import lax
from jax.experimental import pallas as pl
from jax.experimental.pallas import tpu as pltpu
from jax.experimental.pallas import tpu_sc as plsc

N = 10000
D = 128
SEQ = 8
NC = 2
NS = 16
NW = NC * NS
K = 128
NP = 10240
SL = NP // NS

_PERM = [0] * D
for _j in range(D // 32):
    for _k in range(16):
        _PERM[32 * _j + 2 * _k] = 32 * _j + _k
        _PERM[32 * _j + 2 * _k + 1] = 32 * _j + 16 + _k
_PERM = tuple(_PERM)

_mesh = plsc.VectorSubcoreMesh(core_axis_name="c", subcore_axis_name="s")

_sc_params = pltpu.CompilerParams()
if "needs_layout_passes" in pltpu.CompilerParams.__dataclass_fields__:
    _sc_params = dataclasses.replace(_sc_params, needs_layout_passes=False)


def _deg_body(dst_hbm, w_hbm, zn_hbm, deg_hbm, dstb, wb, degs):
    cid = lax.axis_index("c")
    sid = lax.axis_index("s")
    wid = cid * NS + sid
    nchunk = dst_hbm.shape[1]
    pltpu.sync_copy(dst_hbm.at[wid], dstb)
    pltpu.sync_copy(w_hbm.at[wid], wb)
    pltpu.sync_copy(zn_hbm.at[pl.ds(sid * SL, SL)], degs.at[pl.ds(sid * SL, SL)])
    plsc.subcore_barrier()

    @pl.loop(0, nchunk)
    def _(c):
        pltpu.sync_copy(wb.at[c], degs.at[dstb.at[c]], add=True)

    plsc.subcore_barrier()
    pltpu.sync_copy(degs.at[pl.ds(sid * SL, SL)],
                    deg_hbm.at[cid, pl.ds(sid * SL, SL)])


def _sc_degree(dst3, w3, nchunk):
    kern = functools.partial(
        pl.kernel,
        out_type=jax.ShapeDtypeStruct((NC, NP), jnp.float32),
        mesh=_mesh,
        scratch_types=[
            pltpu.VMEM((nchunk, K), jnp.int32),
            pltpu.VMEM((nchunk, K), jnp.float32),
            pltpu.VMEM_SHARED((NP,), jnp.float32),
        ],
    )(_deg_body)
    zn = jnp.zeros((NP,), jnp.float32)
    return kern(dst3, w3, zn)


_NSPLIT = 1


def _agg_body(src_hbm, dst_hbm, w_hbm, g_hbm, znd_hbm, out_hbm,
              srcb, dstb, wb, rows, accs, gsem):
    cid = lax.axis_index("c")
    sid = lax.axis_index("s")
    wid = cid * NS + sid
    nchunk = src_hbm.shape[1]
    pltpu.sync_copy(src_hbm.at[wid], srcb)
    pltpu.sync_copy(dst_hbm.at[wid], dstb)
    pltpu.sync_copy(w_hbm.at[wid], wb)
    pltpu.sync_copy(znd_hbm.at[pl.ds(sid * SL, SL)],
                    accs.at[pl.ds(sid * SL, SL)])
    plsc.subcore_barrier()

    @pl.loop(0, nchunk)
    def _(c):
        pltpu.sync_copy(g_hbm.at[srcb.at[c]], rows)

        @pl.loop(0, K)
        def _(i):
            wv = plsc.load_gather(
                wb, [jnp.full((16,), c, jnp.int32),
                     jnp.full((16,), i, jnp.int32)])
            for j in range(D // 16):
                sl = (i, pl.ds(j * 16, 16))
                rows[sl] = rows[sl] * wv

        pltpu.sync_copy(rows, accs.at[dstb.at[c]], add=True)

    plsc.subcore_barrier()
    pltpu.sync_copy(accs.at[pl.ds(sid * SL, SL)],
                    out_hbm.at[cid, pl.ds(sid * SL, SL)])


def _sc_aggregate(src3, dst3, w3, g, nchunk):
    kern = functools.partial(
        pl.kernel,
        out_type=jax.ShapeDtypeStruct((NC, NP, D), jnp.float32),
        mesh=_mesh,
        scratch_types=[
            pltpu.VMEM((nchunk, K), jnp.int32),
            pltpu.VMEM((nchunk, K), jnp.int32),
            pltpu.VMEM((nchunk, K), jnp.float32),
            pltpu.VMEM((K, D), jnp.float32),
            pltpu.VMEM_SHARED((NP, D), jnp.float32),
            pltpu.SemaphoreType.DMA,
        ],
        compiler_params=_sc_params,
    )(_agg_body)
    znd = jnp.zeros((NP, D), jnp.float32)
    return kern(src3, dst3, w3, g, znd)


_BN = 400


def _mm_body(x_ref, w_ref, o_ref):
    o_ref[...] = jnp.dot(x_ref[...], w_ref[...],
                         preferred_element_type=jnp.float32,
                         precision=lax.Precision.HIGHEST)


def _tc_matmul(x, W):
    return pl.pallas_call(
        _mm_body,
        grid=(N // _BN,),
        in_specs=[
            pl.BlockSpec((_BN, D), lambda i: (i, 0)),
            pl.BlockSpec((D, D), lambda i: (0, 0)),
        ],
        out_specs=pl.BlockSpec((_BN, D), lambda i: (i, 0)),
        out_shape=jax.ShapeDtypeStruct((N, D), jnp.float32),
    )(x, W)


def _scale_body(degp_ref, h_ref, o_ref):
    deg = degp_ref[:, 0] + degp_ref[:, 1] + 1.0
    dinv = jnp.where(deg > 0, lax.rsqrt(deg), 0.0)
    o_ref[...] = h_ref[...] * dinv[:, None]


def _tc_scale(degp, h):
    return pl.pallas_call(
        _scale_body,
        grid=(N // _BN,),
        in_specs=[
            pl.BlockSpec((_BN, NC), lambda i: (i, 0)),
            pl.BlockSpec((_BN, D), lambda i: (i, 0)),
        ],
        out_specs=pl.BlockSpec((_BN, D), lambda i: (i, 0)),
        out_shape=jax.ShapeDtypeStruct((N, D), jnp.float32),
    )(degp, h)


def _final_body(degp_ref, acc_ref, g_ref, b_ref, o_ref):
    deg = degp_ref[:, 0] + degp_ref[:, 1] + 1.0
    dinv = jnp.where(deg > 0, lax.rsqrt(deg), 0.0)
    acc = acc_ref[...] + g_ref[...]
    o_ref[...] = acc * dinv[:, None] + b_ref[...]


def _tc_final(degp, accp, g, b):
    return pl.pallas_call(
        _final_body,
        grid=(N // _BN,),
        in_specs=[
            pl.BlockSpec((_BN, NC), lambda i: (i, 0)),
            pl.BlockSpec((_BN, D), lambda i: (i, 0)),
            pl.BlockSpec((_BN, D), lambda i: (i, 0)),
            pl.BlockSpec((1, D), lambda i: (0, 0)),
        ],
        out_specs=pl.BlockSpec((_BN, D), lambda i: (i, 0)),
        out_shape=jax.ShapeDtypeStruct((N, D), jnp.float32),
    )(degp, accp, g, b)


def kernel(x, edge_index, edge_attr, W, b):
    E = edge_index.shape[1]
    nchunk = -(-E // (NW * K))
    nchunk = -(-nchunk // 4) * 4
    per_tile = nchunk * K
    EP = per_tile * NW
    pad = EP - E

    src = jnp.concatenate([edge_index[0], jnp.zeros((pad,), jnp.int32)])
    dst = jnp.concatenate([edge_index[1], jnp.zeros((pad,), jnp.int32)])
    w = jnp.concatenate([edge_attr, jnp.zeros((pad,), jnp.float32)])
    src3 = src.reshape(NW, nchunk, K)
    dst3 = dst.reshape(NW, nchunk, K)
    w3 = w.reshape(NW, nchunk, K)

    degp = _sc_degree(dst3, w3, nchunk)
    h = _tc_matmul(x, W)
    degp_t = degp[:, :N].T
    g = _tc_scale(degp_t, h)
    accp = _sc_aggregate(src3, dst3, w3, g, nchunk)
    acc = accp[0, :N, :] + accp[1, :N, :]
    out = _tc_final(degp_t, acc, g, b.reshape(1, D))

    out = out.reshape(N, SEQ, D // SEQ)
    out = jnp.transpose(out, (1, 0, 2))
    return out[None]

# --- scband reference (transcript-rebuilt; emitter-appended) ---
"""Pipeline reference for scband-gcn-25890062861000 (READ-ONLY COPY).

The authoritative reference and input builder live on the scoring server;
editing this copy changes nothing except your own understanding.
"""

import jax, jax.numpy as jnp
import numpy as np

N = 10000
E = 320000
D = 128
SEQ = 8


def setup_inputs(seed: int = 0) -> dict:
    key = jax.random.key(seed)
    k1, k2, k3, k4 = jax.random.split(key, 4)
    x = jax.random.normal(k1, (N, D), dtype=jnp.float32)
    edge_index = jax.random.randint(k2, (2, E), 0, N, dtype=jnp.int32)
    edge_attr = jax.random.uniform(k3, (E,), dtype=jnp.float32)
    # GCNLayer learned parameters: linear weight [D_in, D_out] and bias [D_out]
    W = jax.random.normal(k4, (D, D), dtype=jnp.float32) * (1.0 / np.sqrt(D))
    b = jnp.zeros((D,), dtype=jnp.float32)
    return {"x": x, "edge_index": edge_index, "edge_attr": edge_attr, "W": W, "b": b}


def gcn_layer(x, edge_index, edge_weight, W, b):
    # Faithful GCNConv: add self-loops (weight 1), symmetric normalization by
    # weighted degree, linear transform, weighted scatter-add aggregation, bias.
    n = x.shape[0]
    src = edge_index[0]
    dst = edge_index[1]
    loop = jnp.arange(n, dtype=src.dtype)
    src2 = jnp.concatenate([src, loop])
    dst2 = jnp.concatenate([dst, loop])
    w2 = jnp.concatenate([edge_weight, jnp.ones((n,), dtype=edge_weight.dtype)])
    h = x @ W
    deg = jnp.zeros((n,), dtype=x.dtype).at[dst2].add(w2)
    dinv = jnp.where(deg > 0, jax.lax.rsqrt(deg), 0.0)
    norm = dinv[src2] * w2 * dinv[dst2]
    msg = jnp.take(h, src2, axis=0) * norm[:, None]
    out = jnp.zeros_like(h).at[dst2].add(msg)
    return out + b


def reference(x, edge_index, edge_attr, W, b):
    # single-graph batch (batch_data = [data]); dropout_g=0.0 -> identity
    out = gcn_layer(x, edge_index, edge_attr, W, b)
    out = out.reshape(out.shape[0], SEQ, -1)
    out = jnp.transpose(out, (1, 0, 2))
    # torch.stack over the batch tuple of length 1
    return out[None]

if __name__ == "__main__":
    import jax
    _d = setup_inputs()
    print(jax.jit(kernel)(*tuple(_d.values())))

</pallas_src>

<mosaic_0001>
#map = affine_map<(d0, d1) -> (0, 0, 0)>
#map1 = affine_map<(d0, d1) -> (0, 0)>
module attributes {stable_mosaic.version = 14 : i64} {
  func.func @_agg_body(%arg0: i32, %arg1: i32, %arg2: memref<32x80x128xi32, #tpu.memory_space<hbm>>, %arg3: memref<32x80x128xi32, #tpu.memory_space<hbm>>, %arg4: memref<32x80x128xf32, #tpu.memory_space<hbm>>, %arg5: memref<10000x128xf32, #tpu.memory_space<hbm>>, %arg6: memref<10240x128xf32, #tpu.memory_space<hbm>>, %arg7: memref<2x10240x128xf32, #tpu.memory_space<hbm>>, %arg8: memref<80x128xi32, #tpu.memory_space<vmem>>, %arg9: memref<80x128xi32, #tpu.memory_space<vmem>>, %arg10: memref<80x128xf32, #tpu.memory_space<vmem>>, %arg11: memref<128x128xf32, #tpu.memory_space<vmem>>, %arg12: memref<10240x128xf32, #tpu.memory_space<vmem_shared>>, %arg13: memref<!tpu.dma_semaphore, #tpu.memory_space<semaphore_mem>>) attributes {dimension_semantics = [#tpu.dimension_semantics<core_parallel>, #tpu.dimension_semantics<subcore_parallel>], iteration_bounds = array<i64: 2, 16>, scalar_prefetch = 0 : i64, scratch_operands = 6 : i64, tpu.core_type = #tpu.core_type<sc_vector_subcore>, window_params = [{transform_indices = #map}, {transform_indices = #map}, {transform_indices = #map}, {transform_indices = #map1}, {transform_indices = #map1}, {transform_indices = #map}]} {
    %mul3A = arith.constant 16 : i32
    %mul3A_0 = arith.muli %arg0, %mul3A : i32
    %add3A = arith.addi %mul3A_0, %arg1 : i32
    "tpu.region"() ({
      %run_scoped3A = tpu.sem_alloc : memref<!tpu.dma_semaphore, #tpu.memory_space<semaphore_mem>>
      %dma_start3A = arith.constant 0 : i32
      %dma_start3A_14 = arith.constant 0 : i32
      %dma_start3A_15 = tpu.memref_slice %arg2[%add3A, %dma_start3A, %dma_start3A_14] : memref<32x80x128xi32, #tpu.memory_space<hbm>> -> memref<1x80x128xi32, #tpu.memory_space<hbm>>
      %dma_start3A_16 = tpu.memref_squeeze %dma_start3A_15 : memref<1x80x128xi32, #tpu.memory_space<hbm>> -> memref<80x128xi32, #tpu.memory_space<hbm>>
      %dma_start3A_17 = arith.constant 0 : i32
      %dma_start3A_18 = arith.constant 0 : i32
      %dma_start3A_19 = tpu.memref_slice %arg2[%add3A, %dma_start3A_17, %dma_start3A_18] : memref<32x80x128xi32, #tpu.memory_space<hbm>> -> memref<1x80x128xi32, #tpu.memory_space<hbm>>
      %dma_start3A_20 = tpu.memref_squeeze %dma_start3A_19 : memref<1x80x128xi32, #tpu.memory_space<hbm>> -> memref<80x128xi32, #tpu.memory_space<hbm>>
      tpu.enqueue_dma source(%dma_start3A_20 : memref<80x128xi32, #tpu.memory_space<hbm>>) target(%arg8 : memref<80x128xi32, #tpu.memory_space<vmem>>) target_semaphore(%run_scoped3A : memref<!tpu.dma_semaphore, #tpu.memory_space<semaphore_mem>>)
      %dma_wait3A = arith.constant 0 : i32
      %dma_wait3A_21 = arith.constant 0 : i32
      %dma_wait3A_22 = tpu.memref_slice %arg2[%add3A, %dma_wait3A, %dma_wait3A_21] : memref<32x80x128xi32, #tpu.memory_space<hbm>> -> memref<1x80x128xi32, #tpu.memory_space<hbm>>
      %dma_wait3A_23 = tpu.memref_squeeze %dma_wait3A_22 : memref<1x80x128xi32, #tpu.memory_space<hbm>> -> memref<80x128xi32, #tpu.memory_space<hbm>>
      %dma_wait3A_24 = arith.constant 0 : i32
      %dma_wait3A_25 = arith.constant 0 : i32
      %dma_wait3A_26 = tpu.memref_slice %arg2[%add3A, %dma_wait3A_24, %dma_wait3A_25] : memref<32x80x128xi32, #tpu.memory_space<hbm>> -> memref<1x80x128xi32, #tpu.memory_space<hbm>>
      %dma_wait3A_27 = tpu.memref_squeeze %dma_wait3A_26 : memref<1x80x128xi32, #tpu.memory_space<hbm>> -> memref<80x128xi32, #tpu.memory_space<hbm>>
      tpu.wait_dma2 semaphore(%run_scoped3A : memref<!tpu.dma_semaphore, #tpu.memory_space<semaphore_mem>>) src(%dma_wait3A_27 : memref<80x128xi32, #tpu.memory_space<hbm>>) dst(%arg8 : memref<80x128xi32, #tpu.memory_space<vmem>>)
      tpu.yield
    }) : () -> ()
    "tpu.region"() ({
      %run_scoped3A = tpu.sem_alloc : memref<!tpu.dma_semaphore, #tpu.memory_space<semaphore_mem>>
      %dma_start3A = arith.constant 0 : i32
      %dma_start3A_14 = arith.constant 0 : i32
      %dma_start3A_15 = tpu.memref_slice %arg3[%add3A, %dma_start3A, %dma_start3A_14] : memref<32x80x128xi32, #tpu.memory_space<hbm>> -> memref<1x80x128xi32, #tpu.memory_space<hbm>>
      %dma_start3A_16 = tpu.memref_squeeze %dma_start3A_15 : memref<1x80x128xi32, #tpu.memory_space<hbm>> -> memref<80x128xi32, #tpu.memory_space<hbm>>
      %dma_start3A_17 = arith.constant 0 : i32
      %dma_start3A_18 = arith.constant 0 : i32
      %dma_start3A_19 = tpu.memref_slice %arg3[%add3A, %dma_start3A_17, %dma_start3A_18] : memref<32x80x128xi32, #tpu.memory_space<hbm>> -> memref<1x80x128xi32, #tpu.memory_space<hbm>>
      %dma_start3A_20 = tpu.memref_squeeze %dma_start3A_19 : memref<1x80x128xi32, #tpu.memory_space<hbm>> -> memref<80x128xi32, #tpu.memory_space<hbm>>
      tpu.enqueue_dma source(%dma_start3A_20 : memref<80x128xi32, #tpu.memory_space<hbm>>) target(%arg9 : memref<80x128xi32, #tpu.memory_space<vmem>>) target_semaphore(%run_scoped3A : memref<!tpu.dma_semaphore, #tpu.memory_space<semaphore_mem>>)
      %dma_wait3A = arith.constant 0 : i32
      %dma_wait3A_21 = arith.constant 0 : i32
      %dma_wait3A_22 = tpu.memref_slice %arg3[%add3A, %dma_wait3A, %dma_wait3A_21] : memref<32x80x128xi32, #tpu.memory_space<hbm>> -> memref<1x80x128xi32, #tpu.memory_space<hbm>>
      %dma_wait3A_23 = tpu.memref_squeeze %dma_wait3A_22 : memref<1x80x128xi32, #tpu.memory_space<hbm>> -> memref<80x128xi32, #tpu.memory_space<hbm>>
      %dma_wait3A_24 = arith.constant 0 : i32
      %dma_wait3A_25 = arith.constant 0 : i32
      %dma_wait3A_26 = tpu.memref_slice %arg3[%add3A, %dma_wait3A_24, %dma_wait3A_25] : memref<32x80x128xi32, #tpu.memory_space<hbm>> -> memref<1x80x128xi32, #tpu.memory_space<hbm>>
      %dma_wait3A_27 = tpu.memref_squeeze %dma_wait3A_26 : memref<1x80x128xi32, #tpu.memory_space<hbm>> -> memref<80x128xi32, #tpu.memory_space<hbm>>
      tpu.wait_dma2 semaphore(%run_scoped3A : memref<!tpu.dma_semaphore, #tpu.memory_space<semaphore_mem>>) src(%dma_wait3A_27 : memref<80x128xi32, #tpu.memory_space<hbm>>) dst(%arg9 : memref<80x128xi32, #tpu.memory_space<vmem>>)
      tpu.yield
    }) : () -> ()
    "tpu.region"() ({
      %run_scoped3A = tpu.sem_alloc : memref<!tpu.dma_semaphore, #tpu.memory_space<semaphore_mem>>
      %dma_start3A = arith.constant 0 : i32
      %dma_start3A_14 = arith.constant 0 : i32
      %dma_start3A_15 = tpu.memref_slice %arg4[%add3A, %dma_start3A, %dma_start3A_14] : memref<32x80x128xf32, #tpu.memory_space<hbm>> -> memref<1x80x128xf32, #tpu.memory_space<hbm>>
      %dma_start3A_16 = tpu.memref_squeeze %dma_start3A_15 : memref<1x80x128xf32, #tpu.memory_space<hbm>> -> memref<80x128xf32, #tpu.memory_space<hbm>>
      %dma_start3A_17 = arith.constant 0 : i32
      %dma_start3A_18 = arith.constant 0 : i32
      %dma_start3A_19 = tpu.memref_slice %arg4[%add3A, %dma_start3A_17, %dma_start3A_18] : memref<32x80x128xf32, #tpu.memory_space<hbm>> -> memref<1x80x128xf32, #tpu.memory_space<hbm>>
      %dma_start3A_20 = tpu.memref_squeeze %dma_start3A_19 : memref<1x80x128xf32, #tpu.memory_space<hbm>> -> memref<80x128xf32, #tpu.memory_space<hbm>>
      tpu.enqueue_dma source(%dma_start3A_20 : memref<80x128xf32, #tpu.memory_space<hbm>>) target(%arg10 : memref<80x128xf32, #tpu.memory_space<vmem>>) target_semaphore(%run_scoped3A : memref<!tpu.dma_semaphore, #tpu.memory_space<semaphore_mem>>)
      %dma_wait3A = arith.constant 0 : i32
      %dma_wait3A_21 = arith.constant 0 : i32
      %dma_wait3A_22 = tpu.memref_slice %arg4[%add3A, %dma_wait3A, %dma_wait3A_21] : memref<32x80x128xf32, #tpu.memory_space<hbm>> -> memref<1x80x128xf32, #tpu.memory_space<hbm>>
      %dma_wait3A_23 = tpu.memref_squeeze %dma_wait3A_22 : memref<1x80x128xf32, #tpu.memory_space<hbm>> -> memref<80x128xf32, #tpu.memory_space<hbm>>
      %dma_wait3A_24 = arith.constant 0 : i32
      %dma_wait3A_25 = arith.constant 0 : i32
      %dma_wait3A_26 = tpu.memref_slice %arg4[%add3A, %dma_wait3A_24, %dma_wait3A_25] : memref<32x80x128xf32, #tpu.memory_space<hbm>> -> memref<1x80x128xf32, #tpu.memory_space<hbm>>
      %dma_wait3A_27 = tpu.memref_squeeze %dma_wait3A_26 : memref<1x80x128xf32, #tpu.memory_space<hbm>> -> memref<80x128xf32, #tpu.memory_space<hbm>>
      tpu.wait_dma2 semaphore(%run_scoped3A : memref<!tpu.dma_semaphore, #tpu.memory_space<semaphore_mem>>) src(%dma_wait3A_27 : memref<80x128xf32, #tpu.memory_space<hbm>>) dst(%arg10 : memref<80x128xf32, #tpu.memory_space<vmem>>)
      tpu.yield
    }) : () -> ()
    %mul3A_1 = arith.constant 640 : i32
    %mul3A_2 = arith.muli %arg1, %mul3A_1 : i32
    %mul3A_3 = arith.constant 640 : i32
    %mul3A_4 = arith.muli %arg1, %mul3A_3 : i32
    "tpu.region"() ({
      %run_scoped3A = tpu.sem_alloc : memref<!tpu.dma_semaphore, #tpu.memory_space<semaphore_mem>>
      %dma_start3A = arith.constant 0 : i32
      %dma_start3A_14 = tpu.memref_slice %arg12[%mul3A_4, %dma_start3A] : memref<10240x128xf32, #tpu.memory_space<vmem_shared>> -> memref<640x128xf32, #tpu.memory_space<vmem_shared>>
      %dma_start3A_15 = arith.constant 0 : i32
      %dma_start3A_16 = tpu.memref_slice %arg6[%mul3A_2, %dma_start3A_15] : memref<10240x128xf32, #tpu.memory_space<hbm>> -> memref<640x128xf32, #tpu.memory_space<hbm>>
      tpu.enqueue_dma source(%dma_start3A_16 : memref<640x128xf32, #tpu.memory_space<hbm>>) target(%dma_start3A_14 : memref<640x128xf32, #tpu.memory_space<vmem_shared>>) target_semaphore(%run_scoped3A : memref<!tpu.dma_semaphore, #tpu.memory_space<semaphore_mem>>)
      %dma_wait3A = arith.constant 0 : i32
      %dma_wait3A_17 = tpu.memref_slice %arg12[%mul3A_4, %dma_wait3A] : memref<10240x128xf32, #tpu.memory_space<vmem_shared>> -> memref<640x128xf32, #tpu.memory_space<vmem_shared>>
      %dma_wait3A_18 = arith.constant 0 : i32
      %dma_wait3A_19 = tpu.memref_slice %arg6[%mul3A_2, %dma_wait3A_18] : memref<10240x128xf32, #tpu.memory_space<hbm>> -> memref<640x128xf32, #tpu.memory_space<hbm>>
      tpu.wait_dma2 semaphore(%run_scoped3A : memref<!tpu.dma_semaphore, #tpu.memory_space<semaphore_mem>>) src(%dma_wait3A_19 : memref<640x128xf32, #tpu.memory_space<hbm>>) dst(%dma_wait3A_17 : memref<640x128xf32, #tpu.memory_space<vmem_shared>>)
      tpu.yield
    }) : () -> ()
    %barrier3A = arith.constant 0 : index
    tpu.barrier barrier_id(%barrier3A)
    %scan3A = arith.constant 0 : i32
    %scan3A_5 = arith.constant 80 : i32
    %scan3A_6 = arith.addi %scan3A, %scan3A_5 : i32
    %scan3A_7 = arith.constant 1 : i32
    scf.for %scan3A_14 = %scan3A to %scan3A_6 step %scan3A_7  : i32 {
      %mul3A_15 = arith.constant 1 : i32
      %mul3A_16 = arith.muli %scan3A_14, %mul3A_15 : i32
      %add3A_17 = arith.constant 0 : i32
      %add3A_18 = arith.addi %add3A_17, %mul3A_16 : i32
      "tpu.region"() ({
        %run_scoped3A = tpu.sem_alloc : memref<!tpu.dma_semaphore, #tpu.memory_space<semaphore_mem>>
        %dma_start3A = arith.constant 0 : i32
        %dma_start3A_24 = tpu.memref_slice %arg8[%add3A_18, %dma_start3A] : memref<80x128xi32, #tpu.memory_space<vmem>> -> memref<1x128xi32, #tpu.memory_space<vmem>>
        %dma_start3A_25 = tpu.memref_squeeze %dma_start3A_24 : memref<1x128xi32, #tpu.memory_space<vmem>> -> memref<128xi32, #tpu.memory_space<vmem>>
        %dma_start3A_26 = arith.constant 0 : i32
        %dma_start3A_27 = arith.constant 0 : i32
        %dma_start3A_28 = tpu.memref_slice %arg5[%dma_start3A_26, %dma_start3A_27] : memref<10000x128xf32, #tpu.memory_space<hbm>> -> memref<10000x128xf32, #tpu.memory_space<hbm>>
        tpu.enqueue_indirect_dma source(%dma_start3A_28 : memref<10000x128xf32, #tpu.memory_space<hbm>>) target(%arg11 : memref<128x128xf32, #tpu.memory_space<vmem>>) offsets(%dma_start3A_25 : memref<128xi32, #tpu.memory_space<vmem>>) semaphore(%run_scoped3A : memref<!tpu.dma_semaphore, #tpu.memory_space<semaphore_mem>>)
        %dma_wait3A = arith.constant 0 : i32
        %dma_wait3A_29 = tpu.memref_slice %arg8[%add3A_18, %dma_wait3A] : memref<80x128xi32, #tpu.memory_space<vmem>> -> memref<1x128xi32, #tpu.memory_space<vmem>>
        %dma_wait3A_30 = tpu.memref_squeeze %dma_wait3A_29 : memref<1x128xi32, #tpu.memory_space<vmem>> -> memref<128xi32, #tpu.memory_space<vmem>>
        %dma_wait3A_31 = arith.constant 0 : i32
        %dma_wait3A_32 = arith.constant 0 : i32
        %dma_wait3A_33 = tpu.memref_slice %arg5[%dma_wait3A_31, %dma_wait3A_32] : memref<10000x128xf32, #tpu.memory_space<hbm>> -> memref<10000x128xf32, #tpu.memory_space<hbm>>
        tpu.wait_indirect_dma semaphore(%run_scoped3A : memref<!tpu.dma_semaphore, #tpu.memory_space<semaphore_mem>>) src(%dma_wait3A_33 : memref<10000x128xf32, #tpu.memory_space<hbm>>) dst(%arg11 : memref<128x128xf32, #tpu.memory_space<vmem>>)
        tpu.yield
      }) : () -> ()
      %scan3A_19 = arith.constant 0 : i32
      %scan3A_20 = arith.constant 128 : i32
      %scan3A_21 = arith.addi %scan3A_19, %scan3A_20 : i32
      %scan3A_22 = arith.constant 1 : i32
      scf.for %scan3A_24 = %scan3A_19 to %scan3A_21 step %scan3A_22  : i32 {
        %mul3A_25 = arith.constant 1 : i32
        %mul3A_26 = arith.muli %scan3A_24, %mul3A_25 : i32
        %add3A_27 = arith.constant 0 : i32
        %add3A_28 = arith.addi %add3A_27, %mul3A_26 : i32
        %broadcast_in_dim3A = vector.broadcast %add3A_18 : i32 to vector<16xi32>
        %broadcast_in_dim3A_29 = vector.broadcast %add3A_28 : i32 to vector<16xi32>
        %gather3A = tpu.vector_load_idx %arg10[%broadcast_in_dim3A, %broadcast_in_dim3A_29] : memref<80x128xf32, #tpu.memory_space<vmem>>[vector<16xi32>, vector<16xi32>], vector<16xf32>,
        %get3A = arith.index_cast %add3A_28 : i32 to index
        %get3A_30 = arith.constant 0 : index
        %get3A_31 = tpu.vector_load %arg11[%get3A, %get3A_30] {strides = array<i32>} : memref<128x128xf32, #tpu.memory_space<vmem>>, vector<16xf32>,
        %mul3A_32 = arith.mulf %get3A_31, %gather3A : vector<16xf32>
        %swap3A = arith.index_cast %add3A_28 : i32 to index
        %swap3A_33 = arith.constant 0 : index
        %swap3A_34 = tpu.vector_load %arg11[%swap3A, %swap3A_33] {strides = array<i32>} : memref<128x128xf32, #tpu.memory_space<vmem>>, vector<16xf32>,
        tpu.vector_store %arg11[%swap3A, %swap3A_33], %mul3A_32 {strides = array<i32>} : memref<128x128xf32, #tpu.memory_space<vmem>>, vector<16xf32>,
        %get3A_35 = arith.index_cast %add3A_28 : i32 to index
        %get3A_36 = arith.constant 16 : index
        %get3A_37 = tpu.vector_load %arg11[%get3A_35, %get3A_36] {strides = array<i32>} : memref<128x128xf32, #tpu.memory_space<vmem>>, vector<16xf32>,
        %mul3A_38 = arith.mulf %get3A_37, %gather3A : vector<16xf32>
        %swap3A_39 = arith.index_cast %add3A_28 : i32 to index
        %swap3A_40 = arith.constant 16 : index
        %swap3A_41 = tpu.vector_load %arg11[%swap3A_39, %swap3A_40] {strides = array<i32>} : memref<128x128xf32, #tpu.memory_space<vmem>>, vector<16xf32>,
        tpu.vector_store %arg11[%swap3A_39, %swap3A_40], %mul3A_38 {strides = array<i32>} : memref<128x128xf32, #tpu.memory_space<vmem>>, vector<16xf32>,
        %get3A_42 = arith.index_cast %add3A_28 : i32 to index
        %get3A_43 = arith.constant 32 : index
        %get3A_44 = tpu.vector_load %arg11[%get3A_42, %get3A_43] {strides = array<i32>} : memref<128x128xf32, #tpu.memory_space<vmem>>, vector<16xf32>,
        %mul3A_45 = arith.mulf %get3A_44, %gather3A : vector<16xf32>
        %swap3A_46 = arith.index_cast %add3A_28 : i32 to index
        %swap3A_47 = arith.constant 32 : index
        %swap3A_48 = tpu.vector_load %arg11[%swap3A_46, %swap3A_47] {strides = array<i32>} : memref<128x128xf32, #tpu.memory_space<vmem>>, vector<16xf32>,
        tpu.vector_store %arg11[%swap3A_46, %swap3A_47], %mul3A_45 {strides = array<i32>} : memref<128x128xf32, #tpu.memory_space<vmem>>, vector<16xf32>,
        %get3A_49 = arith.index_cast %add3A_28 : i32 to index
        %get3A_50 = arith.constant 48 : index
        %get3A_51 = tpu.vector_load %arg11[%get3A_49, %get3A_50] {strides = array<i32>} : memref<128x128xf32, #tpu.memory_space<vmem>>, vector<16xf32>,
        %mul3A_52 = arith.mulf %get3A_51, %gather3A : vector<16xf32>
        %swap3A_53 = arith.index_cast %add3A_28 : i32 to index
        %swap3A_54 = arith.constant 48 : index
        %swap3A_55 = tpu.vector_load %arg11[%swap3A_53, %swap3A_54] {strides = array<i32>} : memref<128x128xf32, #tpu.memory_space<vmem>>, vector<16xf32>,
        tpu.vector_store %arg11[%swap3A_53, %swap3A_54], %mul3A_52 {strides = array<i32>} : memref<128x128xf32, #tpu.memory_space<vmem>>, vector<16xf32>,
        %get3A_56 = arith.index_cast %add3A_28 : i32 to index
        %get3A_57 = arith.constant 64 : index
        %get3A_58 = tpu.vector_load %arg11[%get3A_56, %get3A_57] {strides = array<i32>} : memref<128x128xf32, #tpu.memory_space<vmem>>, vector<16xf32>,
        %mul3A_59 = arith.mulf %get3A_58, %gather3A : vector<16xf32>
        %swap3A_60 = arith.index_cast %add3A_28 : i32 to index
        %swap3A_61 = arith.constant 64 : index
        %swap3A_62 = tpu.vector_load %arg11[%swap3A_60, %swap3A_61] {strides = array<i32>} : memref<128x128xf32, #tpu.memory_space<vmem>>, vector<16xf32>,
        tpu.vector_store %arg11[%swap3A_60, %swap3A_61], %mul3A_59 {strides = array<i32>} : memref<128x128xf32, #tpu.memory_space<vmem>>, vector<16xf32>,
        %get3A_63 = arith.index_cast %add3A_28 : i32 to index
        %get3A_64 = arith.constant 80 : index
        %get3A_65 = tpu.vector_load %arg11[%get3A_63, %get3A_64] {strides = array<i32>} : memref<128x128xf32, #tpu.memory_space<vmem>>, vector<16xf32>,
        %mul3A_66 = arith.mulf %get3A_65, %gather3A : vector<16xf32>
        %swap3A_67 = arith.index_cast %add3A_28 : i32 to index
        %swap3A_68 = arith.constant 80 : index
        %swap3A_69 = tpu.vector_load %arg11[%swap3A_67, %swap3A_68] {strides = array<i32>} : memref<128x128xf32, #tpu.memory_space<vmem>>, vector<16xf32>,
        tpu.vector_store %arg11[%swap3A_67, %swap3A_68], %mul3A_66 {strides = array<i32>} : memref<128x128xf32, #tpu.memory_space<vmem>>, vector<16xf32>,
        %get3A_70 = arith.index_cast %add3A_28 : i32 to index
        %get3A_71 = arith.constant 96 : index
        %get3A_72 = tpu.vector_load %arg11[%get3A_70, %get3A_71] {strides = array<i32>} : memref<128x128xf32, #tpu.memory_space<vmem>>, vector<16xf32>,
        %mul3A_73 = arith.mulf %get3A_72, %gather3A : vector<16xf32>
        %swap3A_74 = arith.index_cast %add3A_28 : i32 to index
        %swap3A_75 = arith.constant 96 : index
        %swap3A_76 = tpu.vector_load %arg11[%swap3A_74, %swap3A_75] {strides = array<i32>} : memref<128x128xf32, #tpu.memory_space<vmem>>, vector<16xf32>,
        tpu.vector_store %arg11[%swap3A_74, %swap3A_75], %mul3A_73 {strides = array<i32>} : memref<128x128xf32, #tpu.memory_space<vmem>>, vector<16xf32>,
        %get3A_77 = arith.index_cast %add3A_28 : i32 to index
        %get3A_78 = arith.constant 112 : index
        %get3A_79 = tpu.vector_load %arg11[%get3A_77, %get3A_78] {strides = array<i32>} : memref<128x128xf32, #tpu.memory_space<vmem>>, vector<16xf32>,
        %mul3A_80 = arith.mulf %get3A_79, %gather3A : vector<16xf32>
        %swap3A_81 = arith.index_cast %add3A_28 : i32 to index
        %swap3A_82 = arith.constant 112 : index
        %swap3A_83 = tpu.vector_load %arg11[%swap3A_81, %swap3A_82] {strides = array<i32>} : memref<128x128xf32, #tpu.memory_space<vmem>>, vector<16xf32>,
        tpu.vector_store %arg11[%swap3A_81, %swap3A_82], %mul3A_80 {strides = array<i32>} : memref<128x128xf32, #tpu.memory_space<vmem>>, vector<16xf32>,
      }
      %scan3A_23 = arith.constant 128 : i32
      "tpu.region"() ({
        %run_scoped3A = tpu.sem_alloc : memref<!tpu.dma_semaphore, #tpu.memory_space<semaphore_mem>>
        %dma_start3A = arith.constant 0 : i32
        %dma_start3A_24 = tpu.memref_slice %arg9[%add3A_18, %dma_start3A] : memref<80x128xi32, #tpu.memory_space<vmem>> -> memref<1x128xi32, #tpu.memory_space<vmem>>
        %dma_start3A_25 = tpu.memref_squeeze %dma_start3A_24 : memref<1x128xi32, #tpu.memory_space<vmem>> -> memref<128xi32, #tpu.memory_space<vmem>>
        %dma_start3A_26 = arith.constant 0 : i32
        %dma_start3A_27 = arith.constant 0 : i32
        %dma_start3A_28 = tpu.memref_slice %arg12[%dma_start3A_26, %dma_start3A_27] : memref<10240x128xf32, #tpu.memory_space<vmem_shared>> -> memref<10240x128xf32, #tpu.memory_space<vmem_shared>>
        tpu.enqueue_indirect_dma source(%arg11 : memref<128x128xf32, #tpu.memory_space<vmem>>) target(%dma_start3A_28 : memref<10240x128xf32, #tpu.memory_space<vmem_shared>>) offsets(%dma_start3A_25 : memref<128xi32, #tpu.memory_space<vmem>>) semaphore(%run_scoped3A : memref<!tpu.dma_semaphore, #tpu.memory_space<semaphore_mem>>) {add = true}
        %dma_wait3A = arith.constant 0 : i32
        %dma_wait3A_29 = tpu.memref_slice %arg9[%add3A_18, %dma_wait3A] : memref<80x128xi32, #tpu.memory_space<vmem>> -> memref<1x128xi32, #tpu.memory_space<vmem>>
        %dma_wait3A_30 = tpu.memref_squeeze %dma_wait3A_29 : memref<1x128xi32, #tpu.memory_space<vmem>> -> memref<128xi32, #tpu.memory_space<vmem>>
        %dma_wait3A_31 = arith.constant 0 : i32
        %dma_wait3A_32 = arith.constant 0 : i32
        %dma_wait3A_33 = tpu.memref_slice %arg12[%dma_wait3A_31, %dma_wait3A_32] : memref<10240x128xf32, #tpu.memory_space<vmem_shared>> -> memref<10240x128xf32, #tpu.memory_space<vmem_shared>>
        tpu.wait_indirect_dma semaphore(%run_scoped3A : memref<!tpu.dma_semaphore, #tpu.memory_space<semaphore_mem>>) src(%arg11 : memref<128x128xf32, #tpu.memory_space<vmem>>) dst(%dma_wait3A_33 : memref<10240x128xf32, #tpu.memory_space<vmem_shared>>)
        tpu.yield
      }) : () -> ()
    }
    %scan3A_8 = arith.constant 80 : i32
    %barrier3A_9 = arith.constant 0 : index
    tpu.barrier barrier_id(%barrier3A_9)
    %mul3A_10 = arith.constant 640 : i32
    %mul3A_11 = arith.muli %arg1, %mul3A_10 : i32
    %mul3A_12 = arith.constant 640 : i32
    %mul3A_13 = arith.muli %arg1, %mul3A_12 : i32
    "tpu.region"() ({
      %run_scoped3A = tpu.sem_alloc : memref<!tpu.dma_semaphore, #tpu.memory_space<semaphore_mem>>
      %dma_start3A = arith.constant 0 : i32
      %dma_start3A_14 = tpu.memref_slice %arg7[%arg0, %mul3A_13, %dma_start3A] : memref<2x10240x128xf32, #tpu.memory_space<hbm>> -> memref<1x640x128xf32, #tpu.memory_space<hbm>>
      %dma_start3A_15 = tpu.memref_squeeze %dma_start3A_14 : memref<1x640x128xf32, #tpu.memory_space<hbm>> -> memref<640x128xf32, #tpu.memory_space<hbm>>
      %dma_start3A_16 = arith.constant 0 : i32
      %dma_start3A_17 = tpu.memref_slice %arg12[%mul3A_11, %dma_start3A_16] : memref<10240x128xf32, #tpu.memory_space<vmem_shared>> -> memref<640x128xf32, #tpu.memory_space<vmem_shared>>
      tpu.enqueue_dma source(%dma_start3A_17 : memref<640x128xf32, #tpu.memory_space<vmem_shared>>) target(%dma_start3A_15 : memref<640x128xf32, #tpu.memory_space<hbm>>) target_semaphore(%run_scoped3A : memref<!tpu.dma_semaphore, #tpu.memory_space<semaphore_mem>>)
      %dma_wait3A = arith.constant 0 : i32
      %dma_wait3A_18 = tpu.memref_slice %arg7[%arg0, %mul3A_13, %dma_wait3A] : memref<2x10240x128xf32, #tpu.memory_space<hbm>> -> memref<1x640x128xf32, #tpu.memory_space<hbm>>
      %dma_wait3A_19 = tpu.memref_squeeze %dma_wait3A_18 : memref<1x640x128xf32, #tpu.memory_space<hbm>> -> memref<640x128xf32, #tpu.memory_space<hbm>>
      %dma_wait3A_20 = arith.constant 0 : i32
      %dma_wait3A_21 = tpu.memref_slice %arg12[%mul3A_11, %dma_wait3A_20] : memref<10240x128xf32, #tpu.memory_space<vmem_shared>> -> memref<640x128xf32, #tpu.memory_space<vmem_shared>>
      tpu.wait_dma2 semaphore(%run_scoped3A : memref<!tpu.dma_semaphore, #tpu.memory_space<semaphore_mem>>) src(%dma_wait3A_21 : memref<640x128xf32, #tpu.memory_space<vmem_shared>>) dst(%dma_wait3A_19 : memref<640x128xf32, #tpu.memory_space<hbm>>)
      tpu.yield
    }) : () -> ()
    return
  }
}

#map = affine_map<(d0, d1) -> (0, 0, 0)>
#map1 = affine_map<(d0, d1) -> (0)>
#map2 = affine_map<(d0, d1) -> (0, 0)>
module attributes {stable_mosaic.version = 14 : i64} {
  func.func @_deg_body(%arg0: i32, %arg1: i32, %arg2: memref<32x80x128xi32, #tpu.memory_space<hbm>>, %arg3: memref<32x80x128xf32, #tpu.memory_space<hbm>>, %arg4: memref<10240xf32, #tpu.memory_space<hbm>>, %arg5: memref<2x10240xf32, #tpu.memory_space<hbm>>, %arg6: memref<80x128xi32, #tpu.memory_space<vmem>>, %arg7: memref<80x128xf32, #tpu.memory_space<vmem>>, %arg8: memref<10240xf32, #tpu.memory_space<vmem_shared>>) attributes {dimension_semantics = [#tpu.dimension_semantics<core_parallel>, #tpu.dimension_semantics<subcore_parallel>], iteration_bounds = array<i64: 2, 16>, scalar_prefetch = 0 : i64, scratch_operands = 3 : i64, tpu.core_type = #tpu.core_type<sc_vector_subcore>, window_params = [{transform_indices = #map}, {transform_indices = #map}, {transform_indices = #map1}, {transform_indices = #map2}]} {
    %mul3A = arith.constant 16 : i32
    %mul3A_0 = arith.muli %arg0, %mul3A : i32
    %add3A = arith.addi %mul3A_0, %arg1 : i32
    "tpu.region"() ({
      %run_scoped3A = tpu.sem_alloc : memref<!tpu.dma_semaphore, #tpu.memory_space<semaphore_mem>>
      %dma_start3A = arith.constant 0 : i32
      %dma_start3A_14 = arith.constant 0 : i32
      %dma_start3A_15 = tpu.memref_slice %arg2[%add3A, %dma_start3A, %dma_start3A_14] : memref<32x80x128xi32, #tpu.memory_space<hbm>> -> memref<1x80x128xi32, #tpu.memory_space<hbm>>
      %dma_start3A_16 = tpu.memref_squeeze %dma_start3A_15 : memref<1x80x128xi32, #tpu.memory_space<hbm>> -> memref<80x128xi32, #tpu.memory_space<hbm>>
      %dma_start3A_17 = arith.constant 0 : i32
      %dma_start3A_18 = arith.constant 0 : i32
      %dma_start3A_19 = tpu.memref_slice %arg2[%add3A, %dma_start3A_17, %dma_start3A_18] : memref<32x80x128xi32, #tpu.memory_space<hbm>> -> memref<1x80x128xi32, #tpu.memory_space<hbm>>
      %dma_start3A_20 = tpu.memref_squeeze %dma_start3A_19 : memref<1x80x128xi32, #tpu.memory_space<hbm>> -> memref<80x128xi32, #tpu.memory_space<hbm>>
      tpu.enqueue_dma source(%dma_start3A_20 : memref<80x128xi32, #tpu.memory_space<hbm>>) target(%arg6 : memref<80x128xi32, #tpu.memory_space<vmem>>) target_semaphore(%run_scoped3A : memref<!tpu.dma_semaphore, #tpu.memory_space<semaphore_mem>>)
      %dma_wait3A = arith.constant 0 : i32
      %dma_wait3A_21 = arith.constant 0 : i32
      %dma_wait3A_22 = tpu.memref_slice %arg2[%add3A, %dma_wait3A, %dma_wait3A_21] : memref<32x80x128xi32, #tpu.memory_space<hbm>> -> memref<1x80x128xi32, #tpu.memory_space<hbm>>
      %dma_wait3A_23 = tpu.memref_squeeze %dma_wait3A_22 : memref<1x80x128xi32, #tpu.memory_space<hbm>> -> memref<80x128xi32, #tpu.memory_space<hbm>>
      %dma_wait3A_24 = arith.constant 0 : i32
      %dma_wait3A_25 = arith.constant 0 : i32
      %dma_wait3A_26 = tpu.memref_slice %arg2[%add3A, %dma_wait3A_24, %dma_wait3A_25] : memref<32x80x128xi32, #tpu.memory_space<hbm>> -> memref<1x80x128xi32, #tpu.memory_space<hbm>>
      %dma_wait3A_27 = tpu.memref_squeeze %dma_wait3A_26 : memref<1x80x128xi32, #tpu.memory_space<hbm>> -> memref<80x128xi32, #tpu.memory_space<hbm>>
      tpu.wait_dma2 semaphore(%run_scoped3A : memref<!tpu.dma_semaphore, #tpu.memory_space<semaphore_mem>>) src(%dma_wait3A_27 : memref<80x128xi32, #tpu.memory_space<hbm>>) dst(%arg6 : memref<80x128xi32, #tpu.memory_space<vmem>>)
      tpu.yield
    }) : () -> ()
    "tpu.region"() ({
      %run_scoped3A = tpu.sem_alloc : memref<!tpu.dma_semaphore, #tpu.memory_space<semaphore_mem>>
      %dma_start3A = arith.constant 0 : i32
      %dma_start3A_14 = arith.constant 0 : i32
      %dma_start3A_15 = tpu.memref_slice %arg3[%add3A, %dma_start3A, %dma_start3A_14] : memref<32x80x128xf32, #tpu.memory_space<hbm>> -> memref<1x80x128xf32, #tpu.memory_space<hbm>>
      %dma_start3A_16 = tpu.memref_squeeze %dma_start3A_15 : memref<1x80x128xf32, #tpu.memory_space<hbm>> -> memref<80x128xf32, #tpu.memory_space<hbm>>
      %dma_start3A_17 = arith.constant 0 : i32
      %dma_start3A_18 = arith.constant 0 : i32
      %dma_start3A_19 = tpu.memref_slice %arg3[%add3A, %dma_start3A_17, %dma_start3A_18] : memref<32x80x128xf32, #tpu.memory_space<hbm>> -> memref<1x80x128xf32, #tpu.memory_space<hbm>>
      %dma_start3A_20 = tpu.memref_squeeze %dma_start3A_19 : memref<1x80x128xf32, #tpu.memory_space<hbm>> -> memref<80x128xf32, #tpu.memory_space<hbm>>
      tpu.enqueue_dma source(%dma_start3A_20 : memref<80x128xf32, #tpu.memory_space<hbm>>) target(%arg7 : memref<80x128xf32, #tpu.memory_space<vmem>>) target_semaphore(%run_scoped3A : memref<!tpu.dma_semaphore, #tpu.memory_space<semaphore_mem>>)
      %dma_wait3A = arith.constant 0 : i32
      %dma_wait3A_21 = arith.constant 0 : i32
      %dma_wait3A_22 = tpu.memref_slice %arg3[%add3A, %dma_wait3A, %dma_wait3A_21] : memref<32x80x128xf32, #tpu.memory_space<hbm>> -> memref<1x80x128xf32, #tpu.memory_space<hbm>>
      %dma_wait3A_23 = tpu.memref_squeeze %dma_wait3A_22 : memref<1x80x128xf32, #tpu.memory_space<hbm>> -> memref<80x128xf32, #tpu.memory_space<hbm>>
      %dma_wait3A_24 = arith.constant 0 : i32
      %dma_wait3A_25 = arith.constant 0 : i32
      %dma_wait3A_26 = tpu.memref_slice %arg3[%add3A, %dma_wait3A_24, %dma_wait3A_25] : memref<32x80x128xf32, #tpu.memory_space<hbm>> -> memref<1x80x128xf32, #tpu.memory_space<hbm>>
      %dma_wait3A_27 = tpu.memref_squeeze %dma_wait3A_26 : memref<1x80x128xf32, #tpu.memory_space<hbm>> -> memref<80x128xf32, #tpu.memory_space<hbm>>
      tpu.wait_dma2 semaphore(%run_scoped3A : memref<!tpu.dma_semaphore, #tpu.memory_space<semaphore_mem>>) src(%dma_wait3A_27 : memref<80x128xf32, #tpu.memory_space<hbm>>) dst(%arg7 : memref<80x128xf32, #tpu.memory_space<vmem>>)
      tpu.yield
    }) : () -> ()
    %mul3A_1 = arith.constant 640 : i32
    %mul3A_2 = arith.muli %arg1, %mul3A_1 : i32
    %mul3A_3 = arith.constant 640 : i32
    %mul3A_4 = arith.muli %arg1, %mul3A_3 : i32
    "tpu.region"() ({
      %run_scoped3A = tpu.sem_alloc : memref<!tpu.dma_semaphore, #tpu.memory_space<semaphore_mem>>
      %dma_start3A = tpu.memref_slice %arg8[%mul3A_4] : memref<10240xf32, #tpu.memory_space<vmem_shared>> -> memref<640xf32, #tpu.memory_space<vmem_shared>>
      %dma_start3A_14 = tpu.memref_slice %arg4[%mul3A_2] : memref<10240xf32, #tpu.memory_space<hbm>> -> memref<640xf32, #tpu.memory_space<hbm>>
      tpu.enqueue_dma source(%dma_start3A_14 : memref<640xf32, #tpu.memory_space<hbm>>) target(%dma_start3A : memref<640xf32, #tpu.memory_space<vmem_shared>>) target_semaphore(%run_scoped3A : memref<!tpu.dma_semaphore, #tpu.memory_space<semaphore_mem>>)
      %dma_wait3A = tpu.memref_slice %arg8[%mul3A_4] : memref<10240xf32, #tpu.memory_space<vmem_shared>> -> memref<640xf32, #tpu.memory_space<vmem_shared>>
      %dma_wait3A_15 = tpu.memref_slice %arg4[%mul3A_2] : memref<10240xf32, #tpu.memory_space<hbm>> -> memref<640xf32, #tpu.memory_space<hbm>>
      tpu.wait_dma2 semaphore(%run_scoped3A : memref<!tpu.dma_semaphore, #tpu.memory_space<semaphore_mem>>) src(%dma_wait3A_15 : memref<640xf32, #tpu.memory_space<hbm>>) dst(%dma_wait3A : memref<640xf32, #tpu.memory_space<vmem_shared>>)
      tpu.yield
    }) : () -> ()
    %barrier3A = arith.constant 0 : index
    tpu.barrier barrier_id(%barrier3A)
    %scan3A = arith.constant 0 : i32
    %scan3A_5 = arith.constant 80 : i32
    %scan3A_6 = arith.addi %scan3A, %scan3A_5 : i32
    %scan3A_7 = arith.constant 1 : i32
    scf.for %scan3A_14 = %scan3A to %scan3A_6 step %scan3A_7  : i32 {
      %mul3A_15 = arith.constant 1 : i32
      %mul3A_16 = arith.muli %scan3A_14, %mul3A_15 : i32
      %add3A_17 = arith.constant 0 : i32
      %add3A_18 = arith.addi %add3A_17, %mul3A_16 : i32
      "tpu.region"() ({
        %run_scoped3A = tpu.sem_alloc : memref<!tpu.dma_semaphore, #tpu.memory_space<semaphore_mem>>
        %dma_start3A = arith.constant 0 : i32
        %dma_start3A_19 = tpu.memref_slice %arg7[%add3A_18, %dma_start3A] : memref<80x128xf32, #tpu.memory_space<vmem>> -> memref<1x128xf32, #tpu.memory_space<vmem>>
        %dma_start3A_20 = tpu.memref_squeeze %dma_start3A_19 : memref<1x128xf32, #tpu.memory_space<vmem>> -> memref<128xf32, #tpu.memory_space<vmem>>
        %dma_start3A_21 = arith.constant 0 : i32
        %dma_start3A_22 = tpu.memref_slice %arg6[%add3A_18, %dma_start3A_21] : memref<80x128xi32, #tpu.memory_space<vmem>> -> memref<1x128xi32, #tpu.memory_space<vmem>>
        %dma_start3A_23 = tpu.memref_squeeze %dma_start3A_22 : memref<1x128xi32, #tpu.memory_space<vmem>> -> memref<128xi32, #tpu.memory_space<vmem>>
        %dma_start3A_24 = arith.constant 0 : i32
        %dma_start3A_25 = tpu.memref_slice %arg8[%dma_start3A_24] : memref<10240xf32, #tpu.memory_space<vmem_shared>> -> memref<10240xf32, #tpu.memory_space<vmem_shared>>
        tpu.enqueue_indirect_dma source(%dma_start3A_20 : memref<128xf32, #tpu.memory_space<vmem>>) target(%dma_start3A_25 : memref<10240xf32, #tpu.memory_space<vmem_shared>>) offsets(%dma_start3A_23 : memref<128xi32, #tpu.memory_space<vmem>>) semaphore(%run_scoped3A : memref<!tpu.dma_semaphore, #tpu.memory_space<semaphore_mem>>) {add = true}
        %dma_wait3A = arith.constant 0 : i32
        %dma_wait3A_26 = tpu.memref_slice %arg7[%add3A_18, %dma_wait3A] : memref<80x128xf32, #tpu.memory_space<vmem>> -> memref<1x128xf32, #tpu.memory_space<vmem>>
        %dma_wait3A_27 = tpu.memref_squeeze %dma_wait3A_26 : memref<1x128xf32, #tpu.memory_space<vmem>> -> memref<128xf32, #tpu.memory_space<vmem>>
        %dma_wait3A_28 = arith.constant 0 : i32
        %dma_wait3A_29 = tpu.memref_slice %arg6[%add3A_18, %dma_wait3A_28] : memref<80x128xi32, #tpu.memory_space<vmem>> -> memref<1x128xi32, #tpu.memory_space<vmem>>
        %dma_wait3A_30 = tpu.memref_squeeze %dma_wait3A_29 : memref<1x128xi32, #tpu.memory_space<vmem>> -> memref<128xi32, #tpu.memory_space<vmem>>
        %dma_wait3A_31 = arith.constant 0 : i32
        %dma_wait3A_32 = tpu.memref_slice %arg8[%dma_wait3A_31] : memref<10240xf32, #tpu.memory_space<vmem_shared>> -> memref<10240xf32, #tpu.memory_space<vmem_shared>>
        tpu.wait_indirect_dma semaphore(%run_scoped3A : memref<!tpu.dma_semaphore, #tpu.memory_space<semaphore_mem>>) src(%dma_wait3A_27 : memref<128xf32, #tpu.memory_space<vmem>>) dst(%dma_wait3A_32 : memref<10240xf32, #tpu.memory_space<vmem_shared>>)
        tpu.yield
      }) : () -> ()
    }
    %scan3A_8 = arith.constant 80 : i32
    %barrier3A_9 = arith.constant 0 : index
    tpu.barrier barrier_id(%barrier3A_9)
    %mul3A_10 = arith.constant 640 : i32
    %mul3A_11 = arith.muli %arg1, %mul3A_10 : i32
    %mul3A_12 = arith.constant 640 : i32
    %mul3A_13 = arith.muli %arg1, %mul3A_12 : i32
    "tpu.region"() ({
      %run_scoped3A = tpu.sem_alloc : memref<!tpu.dma_semaphore, #tpu.memory_space<semaphore_mem>>
      %dma_start3A = tpu.memref_slice %arg5[%arg0, %mul3A_13] : memref<2x10240xf32, #tpu.memory_space<hbm>> -> memref<1x640xf32, #tpu.memory_space<hbm>>
      %dma_start3A_14 = tpu.memref_squeeze %dma_start3A : memref<1x640xf32, #tpu.memory_space<hbm>> -> memref<640xf32, #tpu.memory_space<hbm>>
      %dma_start3A_15 = tpu.memref_slice %arg8[%mul3A_11] : memref<10240xf32, #tpu.memory_space<vmem_shared>> -> memref<640xf32, #tpu.memory_space<vmem_shared>>
      tpu.enqueue_dma source(%dma_start3A_15 : memref<640xf32, #tpu.memory_space<vmem_shared>>) target(%dma_start3A_14 : memref<640xf32, #tpu.memory_space<hbm>>) target_semaphore(%run_scoped3A : memref<!tpu.dma_semaphore, #tpu.memory_space<semaphore_mem>>)
      %dma_wait3A = tpu.memref_slice %arg5[%arg0, %mul3A_13] : memref<2x10240xf32, #tpu.memory_space<hbm>> -> memref<1x640xf32, #tpu.memory_space<hbm>>
      %dma_wait3A_16 = tpu.memref_squeeze %dma_wait3A : memref<1x640xf32, #tpu.memory_space<hbm>> -> memref<640xf32, #tpu.memory_space<hbm>>
      %dma_wait3A_17 = tpu.memref_slice %arg8[%mul3A_11] : memref<10240xf32, #tpu.memory_space<vmem_shared>> -> memref<640xf32, #tpu.memory_space<vmem_shared>>
      tpu.wait_dma2 semaphore(%run_scoped3A : memref<!tpu.dma_semaphore, #tpu.memory_space<semaphore_mem>>) src(%dma_wait3A_17 : memref<640xf32, #tpu.memory_space<vmem_shared>>) dst(%dma_wait3A_16 : memref<640xf32, #tpu.memory_space<hbm>>)
      tpu.yield
    }) : () -> ()
    return
  }
}

module attributes {stable_mosaic.version = 14 : i64} {
  func.func @_mm_body(%arg0: i32, %arg1: memref<400x128xf32, #tpu.memory_space<vmem>>, %arg2: memref<128x128xf32, #tpu.memory_space<vmem>>, %arg3: memref<400x128xf32, #tpu.memory_space<vmem>>) attributes {dimension_semantics = [#tpu.dimension_semantics<arbitrary>], iteration_bounds = array<i64: 25>, scalar_prefetch = 0 : i64, scratch_operands = 0 : i64, tpu.core_type = #tpu.core_type<tc>, window_params = [{transform_indices = @transform_0, window_bounds = array<i64: 400, 128>}, {pipeline_mode = #tpu.pipeline_mode<synchronous>, transform_indices = @transform_1, window_bounds = array<i64: 128, 128>}, {transform_indices = @transform_2, window_bounds = array<i64: 400, 128>}]} {
    %get3A = arith.constant 0 : index
    %get3A_0 = arith.constant 0 : index
    %get3A_1 = vector.load %arg1[%get3A, %get3A_0] : memref<400x128xf32, #tpu.memory_space<vmem>>, vector<400x128xf32>
    %get3A_2 = arith.constant 0 : index
    %get3A_3 = arith.constant 0 : index
    %get3A_4 = vector.load %arg2[%get3A_2, %get3A_3] : memref<128x128xf32, #tpu.memory_space<vmem>>, vector<128x128xf32>
    %dot_general3A = arith.constant dense<0.000000e+00> : vector<400x128xf32>
    %dot_general3A_5 = tpu.matmul %get3A_1, %get3A_4, %dot_general3A {dimension_numbers = #tpu.dot_dimension_numbers<[1], [0], [0], [1], [0, 0, 1, 1], [], []>, precision = #tpu.contract_precision<fp32>, transpose_lhs_hint = false} : vector<400x128xf32>, vector<128x128xf32>, vector<400x128xf32> -> vector<400x128xf32>
    %swap3A = arith.constant 0 : index
    %swap3A_6 = arith.constant 0 : index
    %swap3A_7 = vector.load %arg3[%swap3A, %swap3A_6] : memref<400x128xf32, #tpu.memory_space<vmem>>, vector<400x128xf32>
    tpu.vector_store %arg3[%swap3A, %swap3A_6], %dot_general3A_5 {strides = array<i32>} : memref<400x128xf32, #tpu.memory_space<vmem>>, vector<400x128xf32>,
    return
  }
  func.func @transform_0(%arg0: i32) -> (i32, i32) {
    %c0_i32 = arith.constant 0 : i32
    %c0_i32_0 = arith.constant 0 : i32
    return %arg0, %c0_i32 : i32, i32
  }
  func.func @transform_1(%arg0: i32) -> (i32, i32) {
    %c0_i32 = arith.constant 0 : i32
    %c0_i32_0 = arith.constant 0 : i32
    %c0_i32_1 = arith.constant 0 : i32
    return %c0_i32, %c0_i32_0 : i32, i32
  }
  func.func @transform_2(%arg0: i32) -> (i32, i32) {
    %c0_i32 = arith.constant 0 : i32
    %c0_i32_0 = arith.constant 0 : i32
    return %arg0, %c0_i32 : i32, i32
  }
}

module attributes {stable_mosaic.version = 14 : i64} {
  func.func @_scale_body(%arg0: i32, %arg1: memref<400x2xf32, #tpu.memory_space<vmem>>, %arg2: memref<400x128xf32, #tpu.memory_space<vmem>>, %arg3: memref<400x128xf32, #tpu.memory_space<vmem>>) attributes {dimension_semantics = [#tpu.dimension_semantics<arbitrary>], iteration_bounds = array<i64: 25>, scalar_prefetch = 0 : i64, scratch_operands = 0 : i64, tpu.core_type = #tpu.core_type<tc>, window_params = [{transform_indices = @transform_0, window_bounds = array<i64: 400, 2>}, {transform_indices = @transform_1, window_bounds = array<i64: 400, 128>}, {transform_indices = @transform_2, window_bounds = array<i64: 400, 128>}]} {
    %get3A = arith.constant 0 : index
    %get3A_0 = arith.constant 0 : index
    %get3A_1 = vector.load %arg1[%get3A, %get3A_0] : memref<400x2xf32, #tpu.memory_space<vmem>>, vector<400x1xf32>
    %get3A_2 = vector.shape_cast %get3A_1 : vector<400x1xf32> to vector<400xf32>
    %get3A_3 = arith.constant 0 : index
    %get3A_4 = arith.constant 1 : index
    %get3A_5 = vector.load %arg1[%get3A_3, %get3A_4] : memref<400x2xf32, #tpu.memory_space<vmem>>, vector<400x1xf32>
    %get3A_6 = vector.shape_cast %get3A_5 : vector<400x1xf32> to vector<400xf32>
    %add3A = arith.addf %get3A_2, %get3A_6 : vector<400xf32>
    %add3A_7 = arith.constant 1.000000e+00 : f32
    %add3A_8 = vector.broadcast %add3A_7 : f32 to vector<400xf32>
    %add3A_9 = arith.addf %add3A, %add3A_8 : vector<400xf32>
    %gt3A = arith.constant 0.000000e+00 : f32
    %gt3A_10 = vector.broadcast %gt3A : f32 to vector<400xf32>
    %gt3A_11 = arith.cmpf ogt, %add3A_9, %gt3A_10 : vector<400xf32>
    %rsqrt3A = math.rsqrt %add3A_9 : vector<400xf32>
    %jit3A = arith.constant 0.000000e+00 : f32
    %broadcast_in_dim3A = vector.broadcast %jit3A : f32 to vector<400xf32>
    %select_n3A = arith.select %gt3A_11, %rsqrt3A, %broadcast_in_dim3A : vector<400xi1>, vector<400xf32>
    %get3A_12 = arith.constant 0 : index
    %get3A_13 = arith.constant 0 : index
    %get3A_14 = vector.load %arg2[%get3A_12, %get3A_13] : memref<400x128xf32, #tpu.memory_space<vmem>>, vector<400x128xf32>
    %broadcast_in_dim3A_15 = vector.shape_cast %select_n3A : vector<400xf32> to vector<400x1xf32>
    %mul3A = vector.broadcast %broadcast_in_dim3A_15 : vector<400x1xf32> to vector<400x128xf32>
    %mul3A_16 = arith.mulf %get3A_14, %mul3A : vector<400x128xf32>
    %swap3A = arith.constant 0 : index
    %swap3A_17 = arith.constant 0 : index
    %swap3A_18 = vector.load %arg3[%swap3A, %swap3A_17] : memref<400x128xf32, #tpu.memory_space<vmem>>, vector<400x128xf32>
    tpu.vector_store %arg3[%swap3A, %swap3A_17], %mul3A_16 {strides = array<i32>} : memref<400x128xf32, #tpu.memory_space<vmem>>, vector<400x128xf32>,
    return
  }
  func.func @transform_0(%arg0: i32) -> (i32, i32) {
    %c0_i32 = arith.constant 0 : i32
    %c0_i32_0 = arith.constant 0 : i32
    return %arg0, %c0_i32 : i32, i32
  }
  func.func @transform_1(%arg0: i32) -> (i32, i32) {
    %c0_i32 = arith.constant 0 : i32
    %c0_i32_0 = arith.constant 0 : i32
    return %arg0, %c0_i32 : i32, i32
  }
  func.func @transform_2(%arg0: i32) -> (i32, i32) {
    %c0_i32 = arith.constant 0 : i32
    %c0_i32_0 = arith.constant 0 : i32
    return %arg0, %c0_i32 : i32, i32
  }
}

module attributes {stable_mosaic.version = 14 : i64} {
  func.func @_final_body(%arg0: i32, %arg1: memref<400x2xf32, #tpu.memory_space<vmem>>, %arg2: memref<400x128xf32, #tpu.memory_space<vmem>>, %arg3: memref<400x128xf32, #tpu.memory_space<vmem>>, %arg4: memref<1x128xf32, #tpu.memory_space<vmem>>, %arg5: memref<400x128xf32, #tpu.memory_space<vmem>>) attributes {dimension_semantics = [#tpu.dimension_semantics<arbitrary>], iteration_bounds = array<i64: 25>, scalar_prefetch = 0 : i64, scratch_operands = 0 : i64, tpu.core_type = #tpu.core_type<tc>, window_params = [{transform_indices = @transform_0, window_bounds = array<i64: 400, 2>}, {transform_indices = @transform_1, window_bounds = array<i64: 400, 128>}, {transform_indices = @transform_2, window_bounds = array<i64: 400, 128>}, {pipeline_mode = #tpu.pipeline_mode<synchronous>, transform_indices = @transform_3, window_bounds = array<i64: 1, 128>}, {transform_indices = @transform_4, window_bounds = array<i64: 400, 128>}]} {
    %get3A = arith.constant 0 : index
    %get3A_0 = arith.constant 0 : index
    %get3A_1 = vector.load %arg1[%get3A, %get3A_0] : memref<400x2xf32, #tpu.memory_space<vmem>>, vector<400x1xf32>
    %get3A_2 = vector.shape_cast %get3A_1 : vector<400x1xf32> to vector<400xf32>
    %get3A_3 = arith.constant 0 : index
    %get3A_4 = arith.constant 1 : index
    %get3A_5 = vector.load %arg1[%get3A_3, %get3A_4] : memref<400x2xf32, #tpu.memory_space<vmem>>, vector<400x1xf32>
    %get3A_6 = vector.shape_cast %get3A_5 : vector<400x1xf32> to vector<400xf32>
    %add3A = arith.addf %get3A_2, %get3A_6 : vector<400xf32>
    %add3A_7 = arith.constant 1.000000e+00 : f32
    %add3A_8 = vector.broadcast %add3A_7 : f32 to vector<400xf32>
    %add3A_9 = arith.addf %add3A, %add3A_8 : vector<400xf32>
    %gt3A = arith.constant 0.000000e+00 : f32
    %gt3A_10 = vector.broadcast %gt3A : f32 to vector<400xf32>
    %gt3A_11 = arith.cmpf ogt, %add3A_9, %gt3A_10 : vector<400xf32>
    %rsqrt3A = math.rsqrt %add3A_9 : vector<400xf32>
    %jit3A = arith.constant 0.000000e+00 : f32
    %broadcast_in_dim3A = vector.broadcast %jit3A : f32 to vector<400xf32>
    %select_n3A = arith.select %gt3A_11, %rsqrt3A, %broadcast_in_dim3A : vector<400xi1>, vector<400xf32>
    %get3A_12 = arith.constant 0 : index
    %get3A_13 = arith.constant 0 : index
    %get3A_14 = vector.load %arg2[%get3A_12, %get3A_13] : memref<400x128xf32, #tpu.memory_space<vmem>>, vector<400x128xf32>
    %get3A_15 = arith.constant 0 : index
    %get3A_16 = arith.constant 0 : index
    %get3A_17 = vector.load %arg3[%get3A_15, %get3A_16] : memref<400x128xf32, #tpu.memory_space<vmem>>, vector<400x128xf32>
    %add3A_18 = arith.addf %get3A_14, %get3A_17 : vector<400x128xf32>
    %broadcast_in_dim3A_19 = vector.shape_cast %select_n3A : vector<400xf32> to vector<400x1xf32>
    %mul3A = vector.broadcast %broadcast_in_dim3A_19 : vector<400x1xf32> to vector<400x128xf32>
    %mul3A_20 = arith.mulf %add3A_18, %mul3A : vector<400x128xf32>
    %get3A_21 = arith.constant 0 : index
    %get3A_22 = arith.constant 0 : index
    %get3A_23 = vector.load %arg4[%get3A_21, %get3A_22] : memref<1x128xf32, #tpu.memory_space<vmem>>, vector<1x128xf32>
    %add3A_24 = vector.broadcast %get3A_23 : vector<1x128xf32> to vector<400x128xf32>
    %add3A_25 = arith.addf %mul3A_20, %add3A_24 : vector<400x128xf32>
    %swap3A = arith.constant 0 : index
    %swap3A_26 = arith.constant 0 : index
    %swap3A_27 = vector.load %arg5[%swap3A, %swap3A_26] : memref<400x128xf32, #tpu.memory_space<vmem>>, vector<400x128xf32>
    tpu.vector_store %arg5[%swap3A, %swap3A_26], %add3A_25 {strides = array<i32>} : memref<400x128xf32, #tpu.memory_space<vmem>>, vector<400x128xf32>,
    return
  }
  func.func @transform_0(%arg0: i32) -> (i32, i32) {
    %c0_i32 = arith.constant 0 : i32
    %c0_i32_0 = arith.constant 0 : i32
    return %arg0, %c0_i32 : i32, i32
  }
  func.func @transform_1(%arg0: i32) -> (i32, i32) {
    %c0_i32 = arith.constant 0 : i32
    %c0_i32_0 = arith.constant 0 : i32
    return %arg0, %c0_i32 : i32, i32
  }
  func.func @transform_2(%arg0: i32) -> (i32, i32) {
    %c0_i32 = arith.constant 0 : i32
    %c0_i32_0 = arith.constant 0 : i32
    return %arg0, %c0_i32 : i32, i32
  }
  func.func @transform_3(%arg0: i32) -> (i32, i32) {
    %c0_i32 = arith.constant 0 : i32
    %c0_i32_0 = arith.constant 0 : i32
    %c0_i32_1 = arith.constant 0 : i32
    return %c0_i32, %c0_i32_0 : i32, i32
  }
  func.func @transform_4(%arg0: i32) -> (i32, i32) {
    %c0_i32 = arith.constant 0 : i32
    %c0_i32_0 = arith.constant 0 : i32
    return %arg0, %c0_i32 : i32, i32
  }
}

</mosaic_0001>

<sc_bundles>
// kernel: kernel.10.cloned.1.call-start
scs
__scs_entry_jumppad:
0x0: {  	(pc) =	sbr.rel $0x88, $3  }
0x1: {  	(tag) =	ssettag $0x0;
	lr =	simm.s32 $0x1  }
0x2: {  	[smem:$0x3F9C] =	sst lr;
	_ =	strace $0xD0000000  }
0x3: {  	_ = 	snop  }
0x4: {  	_ = 	snop  }
0x5: {  	_ = 	snop  }
0x6: {  	_ = 	snop  }
0x7: {  	_ = 	snop  }
__scs_overlays_trampoline_lowered:
0x8: {  	[smem:$0x3FAB] =	sst s0  }
0x9: {  	[smem:$0x3FAC] =	sst s1  }
0xa: {  	[smem:$0x3FAD] =	sst s2  }
0xb: {  	[smem:$0x3FAE] =	sst s3  }
0xc: {  	[smem:$0x3FAF] =	sst s4  }
0xd: {  	[smem:$0x3FB0] =	sst s5  }
0xe: {  	[smem:$0x3FB1] =	sst s6  }
0xf: {  	[smem:$0x3FB2] =	sst s7  }
0x10: {  	[smem:$0x3FB3] =	sst s8  }
0x11: {  	[smem:$0x3FB4] =	sst s9;
	s0 =	simm.s32 @!p0 $0x0  }
0x12: {  	s1 =	sld [smem:$0x3F9A];
	s0 =	simm.s32 @p0 $0x1  }
0x13: {  	[smem:$0x3FB5] =	sst s0;
	s0 =	simm.s32 @!p1 $0x0  }
0x14: {  	s2 =	sld [smem:$0x3F99];
	s0 =	simm.s32 @p1 $0x1  }
0x15: {  	[smem:$0x3FB6] =	sst s0;
	s0 =	simm.s32 @!p2 $0x0  }
0x16: {  	s3 =	sld [smem:$0x3FDB];
	s0 =	simm.s32 @p2 $0x1  }
0x17: {  	s4 =	simm.s32 $0x1BF5;
	[smem:$0x3FB8] =	sst s0  }
0x18: {  	s0 =	sld [smem:$0x3F9B];
	_ =	swait.ge [sflag:s4], $0x0  }
0x19: {  	s7 =	sld [smem:$0x3F9C]  }
0x1a: {  	s8 =	sadd.s32 $0xFFFFE003, lr  }
0x1b: {  	s9 =	sadd.s32 $0xFFFFFEF7, lr;
	s5 =	simm.s32 $0xFFFFFFFF;
	p2 =	slt.u32 s8, $0xFFFFF086  }
0x1c: {  	p1 =	slt.u32 s9, $0xF7A;
	s5 =	simm.s32 @!p2 $0x0  }
0x1d: {  	s5 =	simm.s32 @p1 $0x1;
	p0 =	seq.s32 s7, s2  }
0x1e: {  	s7 =	smul.u32 @!p0 $0xF7A, s2;
	p2 =	seq.s32 @!p0 s5, $0x0  }
0x1f: {  	s9 =	smul.u32 $0xF7A, s1;
	s8 =	simm.s32 @!p0 $0x1BF5;
	p2 =	por !p2, p0  }
0x20: {  	[sflag:s8] =	ssyncset.s32 @!p0 $0xFFFFF086;
	s6 =	sadd.s32 @!p0 s3, s7;
	s7 =	simm.s32 @!p0 $0x108  }
0x21: {  	s3 =	sadd.s32 s3, s9;
	s6 =	sadd.s32 @!p0 $0x88, s6;
	s7 =	simm.s32 @p2 $0x1082  }
0x22: {  	[simem:s7], [sflag:s8] =	dma.local @!p0 [hbm:s6], $0xF7A  }
0x23: {  	s9 =	sor.u32 $0xD0000000, s2;
	s6 =	simm.s32 $0x108;
	_ =	swait.ge @!p0 [sflag:s8], $0x0  }
0x24: {  	s3 =	sadd.s32 $0x88, s3;
	s6 =	simm.s32 @!p1 $0x1082;
	[sflag:s4] =	ssyncset.s32 $0xFFFFF086  }
0x25: {  	[simem:s6], [sflag:s4] =	dma.local [hbm:s3], $0xF7A  }
0x26: {  	[smem:$0x3F9C] =	sst s1;
	(tag) =	ssettag s2;
	_ =	strace s9  }
0x27: {  	s1 =	sld [smem:$0x3FAC]  }
0x28: {  	s2 =	sld [smem:$0x3FAD]  }
0x29: {  	s4 =	sld [smem:$0x3FAF]  }
0x2a: {  	p0 =	seq.s32 s5, $0x0;
	s5 =	sld [smem:$0x3FB0]  }
0x2b: {  	s6 =	sld [smem:$0x3FB1]  }
0x2c: {  	s7 =	sld [smem:$0x3FB2]  }
0x2d: {  	s3 =	simm.s32 $0x108;
	s8 =	sld [smem:$0x3FB3]  }
0x2e: {  	s3 =	simm.s32 @!p0 $0x1082;
	s9 =	sld [smem:$0x3FB4]  }
0x2f: {  	lr =	sadd.s32 s0, s3;
	s0 =	sld [smem:$0x3FAB]  }
0x30: {  	s3 =	sld [smem:$0x3FAE]  }
0x31: {  	[smem:$0x3FB7] =	sst s10  }
0x32: {  	s10 =	sld [smem:$0x3FB5];
	_ =	sdelay $0x3  }
0x33: {  	p0 =	seq.s32 s10, $0x1;
	s10 =	sld [smem:$0x3FB7];
	_ =	sdelay $0x3  }
0x34: {  	[smem:$0x3FB7] =	sst s10  }
0x35: {  	s10 =	sld [smem:$0x3FB6];
	_ =	sdelay $0x3  }
0x36: {  	p1 =	seq.s32 s10, $0x1;
	s10 =	sld [smem:$0x3FB7];
	_ =	sdelay $0x3  }
0x37: {  	[smem:$0x3FB7] =	sst s10  }
0x38: {  	s10 =	sld [smem:$0x3FB8]  }
0x39: {  	_ = 	snop;
	(pc) =	sbr.ind lr, $3  }
0x3a: {  	_ = 	snop  }
0x3b: {  	_ = 	snop  }
0x3c: {  	p2 =	seq.s32 s10, $0x1;
	s10 =	sld [smem:$0x3FB7]  }
0x3d: {  	_ =	shalt  }
0x3e: {  	_ =	shalt  }
0x3f: {  	_ =	shalt  }
0x40: {  	_ =	shalt  }
0x41: {  	_ =	shalt  }
0x42: {  	_ =	shalt  }
0x43: {  	_ =	shalt  }
0x44: {  	_ =	shalt  }
0x45: {  	_ =	shalt  }
0x46: {  	_ =	shalt  }
0x47: {  	_ =	shalt  }
0x48: {  	_ =	shalt  }
0x49: {  	_ =	shalt  }
0x4a: {  	_ =	shalt  }
0x4b: {  	_ =	shalt  }
0x4c: {  	_ =	shalt  }
0x4d: {  	_ =	shalt  }
0x4e: {  	_ =	shalt  }
0x4f: {  	_ =	shalt  }
0x50: {  	_ =	shalt  }
0x51: {  	_ =	shalt  }
0x52: {  	_ =	shalt  }
0x53: {  	_ =	shalt  }
0x54: {  	_ =	shalt  }
0x55: {  	_ =	shalt  }
0x56: {  	_ =	shalt  }
0x57: {  	_ =	shalt  }
0x58: {  	_ =	shalt  }
0x59: {  	_ =	shalt  }
0x5a: {  	_ =	shalt  }
0x5b: {  	_ =	shalt  }
0x5c: {  	_ =	shalt  }
0x5d: {  	_ =	shalt  }
0x5e: {  	_ =	shalt  }
0x5f: {  	_ =	shalt  }
0x60: {  	_ =	shalt  }
0x61: {  	_ =	shalt  }
0x62: {  	_ =	shalt  }
0x63: {  	_ =	shalt  }
0x64: {  	_ =	shalt  }
0x65: {  	_ =	shalt  }
0x66: {  	_ =	shalt  }
0x67: {  	_ =	shalt  }
0x68: {  	_ =	shalt  }
0x69: {  	_ =	shalt  }
0x6a: {  	_ =	shalt  }
0x6b: {  	_ =	shalt  }
0x6c: {  	_ =	shalt  }
0x6d: {  	_ =	shalt  }
0x6e: {  	_ =	shalt  }
0x6f: {  	_ =	shalt  }
0x70: {  	_ =	shalt  }
0x71: {  	_ =	shalt  }
0x72: {  	_ =	shalt  }
0x73: {  	_ =	shalt  }
0x74: {  	_ =	shalt  }
0x75: {  	_ =	shalt  }
0x76: {  	_ =	shalt  }
0x77: {  	_ =	shalt  }
0x78: {  	_ =	shalt  }
0x79: {  	_ =	shalt  }
0x7a: {  	_ =	shalt  }
0x7b: {  	_ =	shalt  }
0x7c: {  	_ =	shalt  }
0x7d: {  	_ =	shalt  }
0x7e: {  	_ =	shalt  }
0x7f: {  	_ =	shalt  }
0x80: {  	_ =	shalt  }
0x81: {  	_ =	shalt  }
0x82: {  	_ =	shalt  }
0x83: {  	_ =	shalt  }
0x84: {  	_ =	shalt  }
0x85: {  	_ =	shalt  }
0x86: {  	_ =	shalt  }
0x87: {  	_ =	shalt  }
.Lfunc_end0:
.L_simem_size_0:
called_computation.1_lowered:
.L_overlay_start_0:
0x88: {  	s2 =	sld [smem:$0x3FD9]  }
0x89: {  	s3 =	sld [smem:$0x3FFE];
	_ =	sdelay $0x1  }
0x8a: {  	s1 =	srdreg.scid  }
0x8b: {  	s0 =	sand.u32 $0x1, s1  }
0x8c: {  	s17 =	sshll.u32 s0, $0xA;
	s2 =	sadd.s32 s3, s2  }
0x8d: {  	s2 =	sadd.s32 s2, s17  }
0x8e: {  	[smem:$0x3FC3] =	sst s2  }
0x8f: {  	_ = 	snop  }
0x90: {  	s2 =	sld [smem:$0x3FD0];
	(tm) =	ssettm $0x1  }
0x91: {  	s18 =	sld [smem:$0x3FFB];
	_ =	sdelay $0x3  }
0x92: {  	_ =	strace s18  }
0x93: {  	s3 =	sld [smem:$0x3FFC];
	_ =	sdelay $0x3  }
0x94: {  	_ =	strace s3  }
0x95: {  	s3 =	sld [smem:$0x3FFD];
	_ =	sdelay $0x3  }
0x96: {  	_ =	strace s3  }
0x97: {  	_ =	strace $0x8FFFFFFF  }
0x98: {  	s19 =	sld [smem:$0x3FDB];
	_ =	sdelay $0x1  }
0x99: {  	s4 =	simm.s32 $_scs_section_size  }
0x9a: {  	s5 =	simm.s32 $_size__tile_overlayer_lowered;
	s6 =	simm.s32 $_tile_overlayer_lowered  }
0x9b: {  	s22 =	simm.s32 $0x1BFF;
	s21 =	sshll.u32 s6, $0x1;
	s3 =	sadd.s32 s4, s19  }
0x9c: {  	s7 =	simm.s32 $0x0;
	s20 =	sshll.u32 s5, $0x1;
	s5 =	sadd.s32 s21, s3  }
0x9d: {  	[timem:s7], [sflag:s22] =	dma.local [hbm:s5], s20  }
0x9e: {  	_ =	swait.ge [sflag:s22], s20  }
0x9f: {  	s4 =	ssub.s32 $0x0, s20;
	[sflag:s22] =	ssyncset.done $0x0  }
0xa0: {  	[sflag:s22] =	ssyncadd.s32 s4;
	_ =	sdelay $0x1  }
0xa1: {  	s23 =	simm.s32 $0x1B8B  }
0xa2: {  	_ =	swait.ge [sflag:s23], $0x1  }
0xa3: {  	[sflag:s23] =	ssyncset.done $0x0  }
0xa4: {  	s25 =	simm.s32 $0x1B8E;
	s24 =	sld [smem:$0x3FFE];
	[sflag:s23] =	ssyncadd.s32 $0xFFFFFFFF  }
0xa5: {  	s26 =	simm.s32 $execute0_lowered;
	[smem:$0x3FD2] =	sst s25  }
0xa6: {  	s5 =	sshll.u32 s26, $0x1;
	_ =	strace $0x80000049;
	[dreg:$0x1] =	wrdreg $0xFFFFFFFF  }
0xa7: {  	s28 =	simm.s32 $_size_execute0_lowered;
	s3 =	sadd.s32 s3, s5;
	[dreg:$0x0] =	wrdreg $0x0  }
0xa8: {  	s5 =	sshll.u32 s28, $0x1;
	[dreg:$0x2] =	wrdreg s3  }
0xa9: {  	[dreg:$0x3] =	wrdreg s5  }
0xaa: {  	[dreg:$0x4] =	wrdreg $0xC0  }
0xab: {  	_ =	task [dreg:s7], $0x5FFFF  }
0xac: {  	[dreg:$0x1] =	wrdreg $0xFFFFFFFF  }
0xad: {  	[dreg:$0x0] =	wrdreg $0x60  }
0xae: {  	[dreg:$0x2] =	wrdreg s24  }
0xaf: {  	[dreg:$0x3] =	wrdreg s2  }
0xb0: {  	[dreg:$0x4] =	wrdreg $0xB8000  }
0xb1: {  	[dreg:$0x5] =	wrdreg $0x9  }
0xb2: {  	_ =	task.clear_ibuf [dreg:s7], $0x6FFFF;
	_ =	strace $0x90000049  }
0xb3: {  	s29 =	simm.s32 $0x9;
	_ =	strace $0x8000004B  }
0xb4: {  	_ =	swait.ge [sflag:s29], $0x1  }
0xb5: {  	[sflag:s29] =	ssyncadd.s32 $0xFFFFFFFF  }
0xb6: {  	_ =	strace $0x9000004B  }
0xb7: {  	_ =	sfence  }
0xb8: {  	s30 =	sld [smem:$0x0];
	_ =	sdelay $0x2  }
0xb9: {  	s31 =	sshll.u32 s1, $0xD;
	s1 =	sshrl.u32 s1, $0x2  }
0xba: {  	s3 =	sand.u32 $0x4000, s31;
	s1 =	sadd.s32 s1, s30  }
0xbb: {  	s0 =	sor.u32 s3, s0;
	s1 =	sshll.u32 s1, $0x11  }
0xbc: {  	s0 =	sor.u32 s1, s0  }
0xbd: {  	s0 =	sadd.s32 $0x8F2B, s0  }
0xbe: {  	[sflag:s0] =	ssyncadd.remote.s32 $0x1  }
0xbf: {  	_ =	sfence.sel $0xFFFF  }
0xc0: {  	[dreg:$0x0] =	wrdreg $0xFFFFFFFF;
	(pc) =	sbr.abs _section_cstart, $3  }
0xc1: {  	[dreg:$0x1] =	wrdreg $0xFFFFFFFF  }
0xc2: {  	_ =	task.clear_ibuf [dreg:s7], $0x2FFFF;
	_ =	strace $0x9FFFFFFF  }
0xc3: {  	(tm) =	ssettm $0x7FFFFFFF  }
tec
execute0_lowered:
.L_overlay_start_1:
0x0: {  	(tag) =	ssettag $0x1  }
0x1: {  	s6 =	rddreg [dreg:$0x0]  }
0x2: {  	s0 =	srdreg.scid;
	s2 =	rddreg [dreg:$0x1]  }
0x3: {  	s3 =	rddreg [dreg:$0x2];
	s4 =	simm.s32 $0x0;
	s13 =	simm.s32 $0x5000  }
0x4: {  	s16 =	simm.s32 $0x80;
	s5 =	sand.u32 $0x1, s0;
	s0 =	stileid.u32  }
0x5: {  	s17 =	simm.s32 $0x7800;
	s18 =	simm.s32 $0x0;
	s8 =	smul.u32 $0x14000, s0  }
0x6: {  	[smem:$0x7FF] =	sst s4;
	s1 =	sshll.u32 s5, $0x4;
	s9 =	smul.u32 $0x140000, s5  }
0x7: {  	s5 =	ssub.s32 $0x2, s5;
	s29 =	smul.u32 $0x50000, s0;
	s14 =	sshll.u32 s0, $0x6  }
0x8: {  	s1 =	sor.u32 s0, s1;
	s30 =	sshrl.u32 s5, $0x1;
	s14 =	sor.u32 $0x1C01, s14  }
0x9: {  	s7 =	smul.u32 $0x500, s1;
	s1 =	rddreg [dreg:$0x3];
	_ =	strace $0x8000004A  }
0xa: {  	s10 =	sshrl.u32 s8, $0x3;
	s8 =	sadd.s32 s8, s9;
	s12 =	ssub.s32 s5, s30  }
0xb: {  	s31 =	sshrl.u32 s29, $0x2;
	s8 =	sshrl.u32 s8, $0x3;
	s10 =	sadd.s32 s10, s6  }
0xc: {  	s15 =	sadd.s32 s31, s3;
	s7 =	sadd.s32 s7, s6;
	s11 =	sadd.s32 s8, s6  }
0xd: {  	s8 =	sadd.s32 $0x1F800, s10;
	s10 =	smax.u32 s12, $0x1;
	s12 =	simm.s32 $0x2800  }
0xe: {  	s15 =	sshrl.u32 s15, $0x3;
	s5 =	sadd.s32 $0x15800, s7;
	s6 =	sadd.s32 $0xB200, s7  }
0xf: {  	s7 =	sadd.s32 $0x1200, s7;
	s9 =	sadd.s32 $0x47800, s11;
	s11 =	simm.s32 $0x1  }
.LBB2_1:
0x10: {  	[tilespmem:s4], [sflag:$0x1] =	stream.linear.gather [hbm4b:s5+s4], $0x2800, $0x38;
	[tilespmem:$0x1F800] =	vst v63  }
0x11: {  	_ =	swait.ge [sflag:s11], $0x2800  }
0x12: {  	[sflag:s11] =	ssyncset.done $0x0  }
0x13: {  	[sflag:s11] =	ssyncadd.s32 $0xFFFFD800  }
0x14: {  	[tilespmem:s12], [sflag:$0x1] =	stream.linear.gather [hbm4b:s6+s4], $0x2800, $0x38;
	[tilespmem:$0x1F800] =	vst v63  }
0x15: {  	_ =	swait.ge [sflag:s11], $0x2800  }
0x16: {  	[sflag:s11] =	ssyncset.done $0x0  }
0x17: {  	[sflag:s11] =	ssyncadd.s32 $0xFFFFD800  }
0x18: {  	[tilespmem:s13], [sflag:$0x1] =	stream.linear.gather [hbm4b:s7+s4], $0x2800, $0x38;
	[tilespmem:$0x1F800] =	vst v63  }
0x19: {  	_ =	swait.ge [sflag:s11], $0x2800  }
0x1a: {  	[sflag:s11] =	ssyncset.done $0x0  }
0x1b: {  	[sflag:s11] =	ssyncadd.s32 $0xFFFFD800  }
0x1c: {  	[spmem:s15], [sflag:s14] =	dma.local [hbm:s8], $0x2800  }
0x1d: {  	_ =	swait.ge [sflag:s11], $0x2800  }
0x1e: {  	[sflag:s11] =	ssyncset.done $0x0  }
0x1f: {  	[sflag:s11] =	ssyncadd.s32 $0xFFFFD800  }
0x20: {  	s19 =	simm.s32 $0x0;
	[bflag:$0x0] =	sbarrier.arrive $0xFFFF  }
.LBB2_2:
0x21: {  	s21 =	simm.s32 $0x0  }
0x22: {  	s20 =	sshll.u32 s19, $0x7;
	v1 =	vmov s21  }
0x23: {  	v0 =	vmov s20;
	v1 =	vand.u32 $0x7F, v1  }
0x24: {  	[tilespmem:s17], [sflag:$0x1] =	stream.indirect.gather [hbm4b:s2+s16], $0x80, s20, s16, $0xb8;
	v1 =	vadd.s32 v0, v1;
	[tilespmem:$0x1F800] =	vst v63  }
0x25: {  	_ =	swait.ge [sflag:s11], $0x4000;
	v1 =	vbroadcast v1, $0x0  }
0x26: {  	[sflag:s11] =	ssyncset.done $0x0  }
0x27: {  	s21 =	simm.s32 $0x7840;
	[sflag:s11] =	ssyncadd.s32 $0xFFFFC000  }
0x28: {  	v5 =	vld [tilespmem:s21+$0x30]  }
0x29: {  	v8 =	vld [tilespmem:s21+$0x10]  }
0x2a: {  	v6 =	vld [tilespmem:s21+$0xFFFFFFC0]  }
0x2b: {  	v2 =	vld.idx.msk [tilespmem:v1+s13+$0x0], $0xffff  }
0x2c: {  	v11 =	vld [tilespmem:s21+$0xFFFFFFE0]  }
0x2d: {  	v3 =	vld [tilespmem:s21+$0x20]  }
0x2e: {  	v4 =	vld [tilespmem:s21+$0xFFFFFFD0]  }
0x2f: {  	v1 =	vld [tilespmem:s21+$0xFFFFFFF0]  }
0x30: {  	v9 =	vmul.f32 v5, v2;
	v5 =	vld [tilespmem:s21+$0x0]  }
0x31: {  	s22 =	simm.s32 $0x1;
	v7 =	vmul.f32 v6, v2  }
0x32: {  	s23 =	simm.s32 $0x2;
	v10 =	vmov s22;
	s22 =	simm.s32 $0x7840;
	v6 =	vmul.f32 v11, v2;
	v8 =	vmul.f32 v8, v2  }
.LBB2_3:
0x33: {  	p0 =	sne.s32 s23, $0x7F  }
0x34: {  	v10 =	vand.u32 $0x7F, v10;
	v4 =	vmul.f32 v4, v2;
	v3 =	vmul.f32 v3, v2;
	[tilespmem:s21+$0x30] =	vst v9;
	s22 =	sadd.s32 $0x80, s22;
	s24 =	smov.u32 s23;
	s23 =	sadd.s32 $0x1, s23  }
0x35: {  	v9 =	vadd.s32 v0, v10;
	[tilespmem:s21+$0xFFFFFFC0] =	vst v7;
	v7 =	vmul.f32 v1, v2;
	v2 =	vmul.f32 v5, v2  }
0x36: {  	v5 =	vbroadcast v9, $0x0;
	[tilespmem:s21+$0x10] =	vst v8  }
0x37: {  	[tilespmem:s21+$0xFFFFFFE0] =	vst v6  }
0x38: {  	v1 =	vld [tilespmem:s22+$0xFFFFFFF0];
	[tilespmem:s21+$0xFFFFFFF0] =	vst v7  }
0x39: {  	v6 =	vld [tilespmem:s22+$0x30];
	[tilespmem:s21+$0x0] =	vst v2  }
0x3a: {  	v8 =	vld [tilespmem:s22+$0x10];
	[tilespmem:s21+$0x20] =	vst v3  }
0x3b: {  	v7 =	vld [tilespmem:s22+$0xFFFFFFC0];
	[tilespmem:s21+$0xFFFFFFD0] =	vst v4;
	s21 =	smov.u32 s22  }
0x3c: {  	v2 =	vld.idx.msk [tilespmem:v5+s13+$0x0], $0xffff  }
0x3d: {  	v11 =	vld [tilespmem:s22+$0xFFFFFFE0]  }
0x3e: {  	v3 =	vld [tilespmem:s22+$0x20]  }
.Ltmp0:
0x3f: {  	v4 =	vld [tilespmem:s22+$0xFFFFFFD0];
	(pc) =	sbr.rel @p0 .LBB2_3-.Ltmp0, $3  }
0x40: {  	v5 =	vld [tilespmem:s22+$0x0];
	_ =	sdelay $0x1  }
0x41: {  	v7 =	vmul.f32 v7, v2;
	v9 =	vmul.f32 v6, v2  }
0x42: {  	v10 =	vmov s24;
	v8 =	vmul.f32 v8, v2;
	v6 =	vmul.f32 v11, v2  }
0x43: {  	[tilespmem:s21+$0x30] =	vst v9;
	v53 =	vand.u32 $0x7F, v10  }
0x44: {  	[tilespmem:s21+$0xFFFFFFC0] =	vst v7;
	v0 =	vadd.s32 v0, v53  }
0x45: {  	v1 =	vmul.f32 v1, v2;
	[tilespmem:s21+$0x10] =	vst v8;
	v0 =	vbroadcast v0, $0x0  }
0x46: {  	s22 =	sadd.s32 $0x80, s22;
	[tilespmem:s21+$0xFFFFFFE0] =	vst v6;
	v5 =	vmul.f32 v5, v2  }
0x47: {  	v55 =	vmul.f32 v4, v2;
	v6 =	vld [tilespmem:s22+$0xFFFFFFF0];
	[tilespmem:s21+$0xFFFFFFF0] =	vst v1  }
0x48: {  	v3 =	vmul.f32 v3, v2;
	v54 =	vld [tilespmem:s22+$0x30];
	[tilespmem:s21+$0x0] =	vst v5  }
0x49: {  	v57 =	vld [tilespmem:s22+$0xFFFFFFC0];
	[tilespmem:s21+$0xFFFFFFD0] =	vst v55  }
0x4a: {  	v56 =	vld [tilespmem:s22+$0x10];
	[tilespmem:s21+$0x20] =	vst v3  }
0x4b: {  	v0 =	vld.idx.msk [tilespmem:v0+s13+$0x0], $0xffff;
	_ =	sdelay $0x2  }
0x4c: {  	v2 =	vld [tilespmem:s22+$0xFFFFFFE0];
	_ =	sdelay $0x1  }
0x4d: {  	v5 =	vld [tilespmem:s22+$0x0];
	v1 =	vmul.f32 v54, v0  }
0x4e: {  	v58 =	vld [tilespmem:s22+$0x20];
	v3 =	vmul.f32 v57, v0  }
0x4f: {  	v59 =	vld [tilespmem:s22+$0xFFFFFFD0];
	v4 =	vmul.f32 v56, v0;
	[tilespmem:s22+$0x30] =	vst v1  }
0x50: {  	v60 =	vmul.f32 v2, v0;
	[tilespmem:s22+$0xFFFFFFC0] =	vst v3  }
0x51: {  	v61 =	vmul.f32 v6, v0;
	[tilespmem:s22+$0x10] =	vst v4  }
0x52: {  	v62 =	vmul.f32 v5, v0;
	[tilespmem:s22+$0xFFFFFFE0] =	vst v60  }
0x53: {  	v63 =	vmul.f32 v58, v0;
	[tilespmem:s22+$0xFFFFFFF0] =	vst v61  }
0x54: {  	s19 =	sadd.s32 $0x1, s19;
	v0 =	vmul.f32 v59, v0;
	[tilespmem:s22+$0x0] =	vst v62  }
0x55: {  	p0 =	sne.s32 s19, $0x50;
	[tilespmem:s22+$0x20] =	vst v63  }
.Ltmp1:
0x56: {  	s20 =	sadd.s32 $0x2800, s20;
	[tilespmem:s22+$0xFFFFFFD0] =	vst v0;
	(pc) =	sbr.rel @p0 .LBB2_2-.Ltmp1, $4  }
0x57: {  	[spmem:s3] =	stream.indirect.scatter.add.f32 [tilespmem:s17], [sflag:$0x1], $0x80, s20, s16, $0xb8;
	[tilespmem:$0x1F800] =	vst v63  }
0x58: {  	_ =	swait.ge [sflag:s11], $0x4000  }
0x59: {  	[sflag:s11] =	ssyncset.done $0x0  }
0x5a: {  	[sflag:s11] =	ssyncadd.s32 $0xFFFFC000  }
0x5b: {  	s18 =	sadd.s32 $0x1, s18  }
0x5c: {  	p0 =	sne.s32 s18, s10  }
.Ltmp2:
0x5d: {  	[bflag:$0x0] =	sbarrier.arrive $0xFFFF;
	(pc) =	sbr.rel @p0 .LBB2_1-.Ltmp2, $4  }
0x5e: {  	[hbm:s9], [sflag:s14] =	dma.local [spmem:s15], $0x2800  }
0x5f: {  	_ =	swait.ge [sflag:s11], $0x2800  }
0x60: {  	[sflag:s11] =	ssyncset.done $0x0  }
0x61: {  	[sflag:s11] =	ssyncadd.s32 $0xFFFFD800  }
0x62: {  	_ =	sfence.sel $0x180000  }
0x63: {  	[bflag:$0x0] =	sbarrier.arrive $0xFFFF  }
0x64: {  	p0 =	sne.s32 s0, $0x0;
	_ =	strace $0x9000004A  }
0x65: {  	s0 =	sadd.s32 @!p0 $0x100000, s1;
	[bflag:$0x2] =	sbarrier.arrive $0xFFFF  }
0x66: {  	[sflag:s0] =	ssyncadd.tile.s32 @!p0 $0x1;
	_ =	shalt  }
.Lfunc_end2:
_tile_overlayer_lowered:
.L_overlay_start_2:
0x67: {  	(tag) =	ssettag $0x2  }
0x68: {  	s0 =	rddreg [dreg:$0x0];
	s2 =	stileid.u32  }
0x69: {  	s1 =	rddreg [dreg:$0x1];
	p0 =	sne.s32 s2, $0x0  }
0x6a: {  	s3 =	rddreg [dreg:$0x2];
	[bflag:$0x3] =	sbarrier.arrive $0xFFFF;
	s2 =	simm.s32 @!p0 $0x1C01  }
0x6b: {  	[timem:s3], [sflag:s2] =	dma.local @!p0 [hbm:s0], s1  }
0x6c: {  	s0 =	simm.s32 @!p0 $0x1  }
0x6d: {  	_ =	swait.ge @!p0 [sflag:s0], s1  }
0x6e: {  	s1 =	ssub.s32 @!p0 $0x0, s1;
	[sflag:s0] =	ssyncset.done @!p0 $0x0  }
0x6f: {  	[sflag:s0] =	ssyncadd.s32 @!p0 s1  }
0x70: {  	[bflag:$0x3] =	sbarrier.arrive $0xFFFF  }
0x71: {  	_ =	shalt  }

// kernel: kernel.7.cloned.1.call-start
scs
__scs_entry_jumppad:
0x0: {  	(pc) =	sbr.rel $0x88, $3  }
0x1: {  	(tag) =	ssettag $0x0;
	lr =	simm.s32 $0x1  }
0x2: {  	[smem:$0x3F9C] =	sst lr;
	_ =	strace $0xD0000000  }
0x3: {  	_ = 	snop  }
0x4: {  	_ = 	snop  }
0x5: {  	_ = 	snop  }
0x6: {  	_ = 	snop  }
0x7: {  	_ = 	snop  }
__scs_overlays_trampoline_lowered:
0x8: {  	[smem:$0x3FAB] =	sst s0  }
0x9: {  	[smem:$0x3FAC] =	sst s1  }
0xa: {  	[smem:$0x3FAD] =	sst s2  }
0xb: {  	[smem:$0x3FAE] =	sst s3  }
0xc: {  	[smem:$0x3FAF] =	sst s4  }
0xd: {  	[smem:$0x3FB0] =	sst s5  }
0xe: {  	[smem:$0x3FB1] =	sst s6  }
0xf: {  	[smem:$0x3FB2] =	sst s7  }
0x10: {  	[smem:$0x3FB3] =	sst s8  }
0x11: {  	[smem:$0x3FB4] =	sst s9;
	s0 =	simm.s32 @!p0 $0x0  }
0x12: {  	s1 =	sld [smem:$0x3F9A];
	s0 =	simm.s32 @p0 $0x1  }
0x13: {  	[smem:$0x3FB5] =	sst s0;
	s0 =	simm.s32 @!p1 $0x0  }
0x14: {  	s2 =	sld [smem:$0x3F99];
	s0 =	simm.s32 @p1 $0x1  }
0x15: {  	[smem:$0x3FB6] =	sst s0;
	s0 =	simm.s32 @!p2 $0x0  }
0x16: {  	s3 =	sld [smem:$0x3FDB];
	s0 =	simm.s32 @p2 $0x1  }
0x17: {  	s4 =	simm.s32 $0x1BF5;
	[smem:$0x3FB8] =	sst s0  }
0x18: {  	s0 =	sld [smem:$0x3F9B];
	_ =	swait.ge [sflag:s4], $0x0  }
0x19: {  	s7 =	sld [smem:$0x3F9C]  }
0x1a: {  	s8 =	sadd.s32 $0xFFFFE003, lr  }
0x1b: {  	s9 =	sadd.s32 $0xFFFFFEF7, lr;
	s5 =	simm.s32 $0xFFFFFFFF;
	p2 =	slt.u32 s8, $0xFFFFF086  }
0x1c: {  	p1 =	slt.u32 s9, $0xF7A;
	s5 =	simm.s32 @!p2 $0x0  }
0x1d: {  	s5 =	simm.s32 @p1 $0x1;
	p0 =	seq.s32 s7, s2  }
0x1e: {  	s7 =	smul.u32 @!p0 $0xF7A, s2;
	p2 =	seq.s32 @!p0 s5, $0x0  }
0x1f: {  	s9 =	smul.u32 $0xF7A, s1;
	s8 =	simm.s32 @!p0 $0x1BF5;
	p2 =	por !p2, p0  }
0x20: {  	[sflag:s8] =	ssyncset.s32 @!p0 $0xFFFFF086;
	s6 =	sadd.s32 @!p0 s3, s7;
	s7 =	simm.s32 @!p0 $0x108  }
0x21: {  	s3 =	sadd.s32 s3, s9;
	s6 =	sadd.s32 @!p0 $0x88, s6;
	s7 =	simm.s32 @p2 $0x1082  }
0x22: {  	[simem:s7], [sflag:s8] =	dma.local @!p0 [hbm:s6], $0xF7A  }
0x23: {  	s9 =	sor.u32 $0xD0000000, s2;
	s6 =	simm.s32 $0x108;
	_ =	swait.ge @!p0 [sflag:s8], $0x0  }
0x24: {  	s3 =	sadd.s32 $0x88, s3;
	s6 =	simm.s32 @!p1 $0x1082;
	[sflag:s4] =	ssyncset.s32 $0xFFFFF086  }
0x25: {  	[simem:s6], [sflag:s4] =	dma.local [hbm:s3], $0xF7A  }
0x26: {  	[smem:$0x3F9C] =	sst s1;
	(tag) =	ssettag s2;
	_ =	strace s9  }
0x27: {  	s1 =	sld [smem:$0x3FAC]  }
0x28: {  	s2 =	sld [smem:$0x3FAD]  }
0x29: {  	s4 =	sld [smem:$0x3FAF]  }
0x2a: {  	p0 =	seq.s32 s5, $0x0;
	s5 =	sld [smem:$0x3FB0]  }
0x2b: {  	s6 =	sld [smem:$0x3FB1]  }
0x2c: {  	s7 =	sld [smem:$0x3FB2]  }
0x2d: {  	s3 =	simm.s32 $0x108;
	s8 =	sld [smem:$0x3FB3]  }
0x2e: {  	s3 =	simm.s32 @!p0 $0x1082;
	s9 =	sld [smem:$0x3FB4]  }
0x2f: {  	lr =	sadd.s32 s0, s3;
	s0 =	sld [smem:$0x3FAB]  }
0x30: {  	s3 =	sld [smem:$0x3FAE]  }
0x31: {  	[smem:$0x3FB7] =	sst s10  }
0x32: {  	s10 =	sld [smem:$0x3FB5];
	_ =	sdelay $0x3  }
0x33: {  	p0 =	seq.s32 s10, $0x1;
	s10 =	sld [smem:$0x3FB7];
	_ =	sdelay $0x3  }
0x34: {  	[smem:$0x3FB7] =	sst s10  }
0x35: {  	s10 =	sld [smem:$0x3FB6];
	_ =	sdelay $0x3  }
0x36: {  	p1 =	seq.s32 s10, $0x1;
	s10 =	sld [smem:$0x3FB7];
	_ =	sdelay $0x3  }
0x37: {  	[smem:$0x3FB7] =	sst s10  }
0x38: {  	s10 =	sld [smem:$0x3FB8]  }
0x39: {  	_ = 	snop;
	(pc) =	sbr.ind lr, $3  }
0x3a: {  	_ = 	snop  }
0x3b: {  	_ = 	snop  }
0x3c: {  	p2 =	seq.s32 s10, $0x1;
	s10 =	sld [smem:$0x3FB7]  }
0x3d: {  	_ =	shalt  }
0x3e: {  	_ =	shalt  }
0x3f: {  	_ =	shalt  }
0x40: {  	_ =	shalt  }
0x41: {  	_ =	shalt  }
0x42: {  	_ =	shalt  }
0x43: {  	_ =	shalt  }
0x44: {  	_ =	shalt  }
0x45: {  	_ =	shalt  }
0x46: {  	_ =	shalt  }
0x47: {  	_ =	shalt  }
0x48: {  	_ =	shalt  }
0x49: {  	_ =	shalt  }
0x4a: {  	_ =	shalt  }
0x4b: {  	_ =	shalt  }
0x4c: {  	_ =	shalt  }
0x4d: {  	_ =	shalt  }
0x4e: {  	_ =	shalt  }
0x4f: {  	_ =	shalt  }
0x50: {  	_ =	shalt  }
0x51: {  	_ =	shalt  }
0x52: {  	_ =	shalt  }
0x53: {  	_ =	shalt  }
0x54: {  	_ =	shalt  }
0x55: {  	_ =	shalt  }
0x56: {  	_ =	shalt  }
0x57: {  	_ =	shalt  }
0x58: {  	_ =	shalt  }
0x59: {  	_ =	shalt  }
0x5a: {  	_ =	shalt  }
0x5b: {  	_ =	shalt  }
0x5c: {  	_ =	shalt  }
0x5d: {  	_ =	shalt  }
0x5e: {  	_ =	shalt  }
0x5f: {  	_ =	shalt  }
0x60: {  	_ =	shalt  }
0x61: {  	_ =	shalt  }
0x62: {  	_ =	shalt  }
0x63: {  	_ =	shalt  }
0x64: {  	_ =	shalt  }
0x65: {  	_ =	shalt  }
0x66: {  	_ =	shalt  }
0x67: {  	_ =	shalt  }
0x68: {  	_ =	shalt  }
0x69: {  	_ =	shalt  }
0x6a: {  	_ =	shalt  }
0x6b: {  	_ =	shalt  }
0x6c: {  	_ =	shalt  }
0x6d: {  	_ =	shalt  }
0x6e: {  	_ =	shalt  }
0x6f: {  	_ =	shalt  }
0x70: {  	_ =	shalt  }
0x71: {  	_ =	shalt  }
0x72: {  	_ =	shalt  }
0x73: {  	_ =	shalt  }
0x74: {  	_ =	shalt  }
0x75: {  	_ =	shalt  }
0x76: {  	_ =	shalt  }
0x77: {  	_ =	shalt  }
0x78: {  	_ =	shalt  }
0x79: {  	_ =	shalt  }
0x7a: {  	_ =	shalt  }
0x7b: {  	_ =	shalt  }
0x7c: {  	_ =	shalt  }
0x7d: {  	_ =	shalt  }
0x7e: {  	_ =	shalt  }
0x7f: {  	_ =	shalt  }
0x80: {  	_ =	shalt  }
0x81: {  	_ =	shalt  }
0x82: {  	_ =	shalt  }
0x83: {  	_ =	shalt  }
0x84: {  	_ =	shalt  }
0x85: {  	_ =	shalt  }
0x86: {  	_ =	shalt  }
0x87: {  	_ =	shalt  }
.Lfunc_end0:
.L_simem_size_0:
called_computation_lowered:
.L_overlay_start_0:
0x88: {  	s2 =	sld [smem:$0x3FD9]  }
0x89: {  	s3 =	sld [smem:$0x3FFE];
	_ =	sdelay $0x1  }
0x8a: {  	s1 =	srdreg.scid  }
0x8b: {  	s0 =	sand.u32 $0x1, s1  }
0x8c: {  	s17 =	sshll.u32 s0, $0xA;
	s2 =	sadd.s32 s3, s2  }
0x8d: {  	s2 =	sadd.s32 s2, s17  }
0x8e: {  	[smem:$0x3FC3] =	sst s2  }
0x8f: {  	_ = 	snop  }
0x90: {  	s2 =	sld [smem:$0x3FD0];
	(tm) =	ssettm $0x1  }
0x91: {  	s18 =	sld [smem:$0x3FFB];
	_ =	sdelay $0x3  }
0x92: {  	_ =	strace s18  }
0x93: {  	s3 =	sld [smem:$0x3FFC];
	_ =	sdelay $0x3  }
0x94: {  	_ =	strace s3  }
0x95: {  	s3 =	sld [smem:$0x3FFD];
	_ =	sdelay $0x3  }
0x96: {  	_ =	strace s3  }
0x97: {  	_ =	strace $0x8FFFFFFF  }
0x98: {  	s19 =	sld [smem:$0x3FDB];
	_ =	sdelay $0x1  }
0x99: {  	s4 =	simm.s32 $_scs_section_size  }
0x9a: {  	s5 =	simm.s32 $_size__tile_overlayer_lowered;
	s6 =	simm.s32 $_tile_overlayer_lowered  }
0x9b: {  	s22 =	simm.s32 $0x1BFF;
	s21 =	sshll.u32 s6, $0x1;
	s3 =	sadd.s32 s4, s19  }
0x9c: {  	s7 =	simm.s32 $0x0;
	s20 =	sshll.u32 s5, $0x1;
	s5 =	sadd.s32 s21, s3  }
0x9d: {  	[timem:s7], [sflag:s22] =	dma.local [hbm:s5], s20  }
0x9e: {  	_ =	swait.ge [sflag:s22], s20  }
0x9f: {  	s4 =	ssub.s32 $0x0, s20;
	[sflag:s22] =	ssyncset.done $0x0  }
0xa0: {  	[sflag:s22] =	ssyncadd.s32 s4;
	_ =	sdelay $0x1  }
0xa1: {  	s23 =	simm.s32 $0x1B8B  }
0xa2: {  	_ =	swait.ge [sflag:s23], $0x1  }
0xa3: {  	[sflag:s23] =	ssyncset.done $0x0  }
0xa4: {  	s25 =	simm.s32 $0x1B8E;
	s24 =	sld [smem:$0x3FFE];
	[sflag:s23] =	ssyncadd.s32 $0xFFFFFFFF  }
0xa5: {  	s26 =	simm.s32 $execute0_lowered;
	[smem:$0x3FD2] =	sst s25  }
0xa6: {  	s5 =	sshll.u32 s26, $0x1;
	_ =	strace $0x80000046;
	[dreg:$0x1] =	wrdreg $0xFFFFFFFF  }
0xa7: {  	s28 =	simm.s32 $_size_execute0_lowered;
	s3 =	sadd.s32 s3, s5;
	[dreg:$0x0] =	wrdreg $0x0  }
0xa8: {  	s5 =	sshll.u32 s28, $0x1;
	[dreg:$0x2] =	wrdreg s3  }
0xa9: {  	[dreg:$0x3] =	wrdreg s5  }
0xaa: {  	[dreg:$0x4] =	wrdreg $0xC0  }
0xab: {  	_ =	task [dreg:s7], $0x5FFFF  }
0xac: {  	[dreg:$0x1] =	wrdreg $0xFFFFFFFF  }
0xad: {  	[dreg:$0x0] =	wrdreg $0x60  }
0xae: {  	[dreg:$0x2] =	wrdreg s24  }
0xaf: {  	[dreg:$0x3] =	wrdreg s2  }
0xb0: {  	[dreg:$0x4] =	wrdreg $0x50000  }
0xb1: {  	[dreg:$0x5] =	wrdreg $0x9  }
0xb2: {  	_ =	task.clear_ibuf [dreg:s7], $0x6FFFF;
	_ =	strace $0x90000046  }
0xb3: {  	s29 =	simm.s32 $0x9;
	_ =	strace $0x80000048  }
0xb4: {  	_ =	swait.ge [sflag:s29], $0x1  }
0xb5: {  	[sflag:s29] =	ssyncadd.s32 $0xFFFFFFFF  }
0xb6: {  	_ =	strace $0x90000048  }
0xb7: {  	_ =	sfence  }
0xb8: {  	s30 =	sld [smem:$0x0];
	_ =	sdelay $0x2  }
0xb9: {  	s31 =	sshll.u32 s1, $0xD;
	s1 =	sshrl.u32 s1, $0x2  }
0xba: {  	s3 =	sand.u32 $0x4000, s31;
	s1 =	sadd.s32 s1, s30  }
0xbb: {  	s0 =	sor.u32 s3, s0;
	s1 =	sshll.u32 s1, $0x11  }
0xbc: {  	s0 =	sor.u32 s1, s0  }
0xbd: {  	s0 =	sadd.s32 $0x8F2B, s0  }
0xbe: {  	[sflag:s0] =	ssyncadd.remote.s32 $0x1  }
0xbf: {  	_ =	sfence.sel $0xFFFF  }
0xc0: {  	[dreg:$0x0] =	wrdreg $0xFFFFFFFF;
	(pc) =	sbr.abs _section_cstart, $3  }
0xc1: {  	[dreg:$0x1] =	wrdreg $0xFFFFFFFF  }
0xc2: {  	_ =	task.clear_ibuf [dreg:s7], $0x2FFFF;
	_ =	strace $0x9FFFFFFF  }
0xc3: {  	(tm) =	ssettm $0x7FFFFFFF  }
tec
execute0_lowered:
.L_overlay_start_1:
0x0: {  	(tag) =	ssettag $0x1  }
0x1: {  	s4 =	rddreg [dreg:$0x0]  }
0x2: {  	s0 =	srdreg.scid;
	s7 =	rddreg [dreg:$0x1]  }
0x3: {  	s2 =	rddreg [dreg:$0x2];
	s3 =	simm.s32 $0x0;
	s13 =	simm.s32 $0x80  }
0x4: {  	s14 =	simm.s32 $0x20;
	s15 =	simm.s32 $0x10;
	s16 =	simm.s32 $0x0  }
0x5: {  	s5 =	sand.u32 $0x1, s0;
	s0 =	stileid.u32;
	[smem:$0x7FF] =	sst s3  }
0x6: {  	s1 =	sshll.u32 s5, $0x4;
	s8 =	smul.u32 $0x280, s0;
	s10 =	ssub.s32 $0x2, s5  }
0x7: {  	s11 =	smul.u32 $0x500, s0;
	s5 =	sshll.u32 s5, $0x7;
	s31 =	sshll.u32 s0, $0x6  }
0x8: {  	s6 =	sor.u32 s0, s1;
	s1 =	rddreg [dreg:$0x3];
	_ =	strace $0x80000047  }
0x9: {  	s29 =	sshrl.u32 s10, $0x1;
	s6 =	smul.u32 $0x500, s6;
	s9 =	sshrl.u32 s8, $0x3  }
0xa: {  	s10 =	ssub.s32 s10, s29;
	s11 =	sor.u32 s5, s11;
	s12 =	sadd.s32 s8, s2  }
0xb: {  	s9 =	sadd.s32 s9, s4;
	s30 =	sshrl.u32 s11, $0x3;
	s8 =	smax.u32 s10, $0x1  }
0xc: {  	s10 =	simm.s32 $0x2800;
	s11 =	sor.u32 $0x1C01, s31;
	s6 =	sadd.s32 s6, s4  }
0xd: {  	s12 =	sshrl.u32 s12, $0x3;
	s7 =	sadd.s32 s7, s30;
	s4 =	sadd.s32 $0xB200, s6  }
0xe: {  	s5 =	sadd.s32 $0x1200, s6;
	s6 =	sadd.s32 $0x15200, s9;
	s9 =	simm.s32 $0x1  }
.LBB2_1:
0xf: {  	[tilespmem:s3], [sflag:$0x1] =	stream.linear.gather [hbm4b:s4+s3], $0x2800, $0x38;
	[tilespmem:$0x5280] =	vst v63  }
0x10: {  	_ =	swait.ge [sflag:s9], $0x2800  }
0x11: {  	[sflag:s9] =	ssyncset.done $0x0  }
0x12: {  	[sflag:s9] =	ssyncadd.s32 $0xFFFFD800  }
0x13: {  	[tilespmem:s10], [sflag:$0x1] =	stream.linear.gather [hbm4b:s5+s3], $0x2800, $0x38;
	[tilespmem:$0x5280] =	vst v63  }
0x14: {  	_ =	swait.ge [sflag:s9], $0x2800  }
0x15: {  	[sflag:s9] =	ssyncset.done $0x0  }
0x16: {  	[sflag:s9] =	ssyncadd.s32 $0xFFFFD800  }
0x17: {  	[spmem:s12], [sflag:s11] =	dma.local [hbm:s6], $0x50  }
0x18: {  	_ =	swait.ge [sflag:s9], $0x50  }
0x19: {  	[sflag:s9] =	ssyncset.done $0x0  }
0x1a: {  	[sflag:s9] =	ssyncadd.s32 $0xFFFFFFB0  }
0x1b: {  	s17 =	simm.s32 $0x0;
	s18 =	simm.s32 $0x2800;
	[bflag:$0x0] =	sbarrier.arrive $0xFFFF  }
0x1c: {  	[spmem:s2] =	stream.indirect.scatter.add.f32 [tilespmem:s18], [sflag:$0x1], $0x1, s17, s13, $0xb8;
	[tilespmem:$0x5280] =	vst v63  }
0x1d: {  	s17 =	simm.s32 $0x200;
	_ =	swait.ge [sflag:s9], $0x80  }
.LBB2_2:
0x1e: {  	s18 =	sshra.s32 s17, $0x2;
	[sflag:s9] =	ssyncset.done $0x0;
	p0 =	sne.s32 s17, $0x9E00  }
.Ltmp0:
0x1f: {  	s19 =	sadd.s32 $0x2800, s18;
	[sflag:s9] =	ssyncadd.s32 $0xFFFFFF80;
	(pc) =	sbr.rel @p0 .LBB2_2-.Ltmp0, $3  }
0x20: {  	[spmem:s2] =	stream.indirect.scatter.add.f32 [tilespmem:s19], [sflag:$0x1], $0x1, s18, s13, $0xb8;
	[tilespmem:$0x5280] =	vst v63  }
0x21: {  	s17 =	sadd.s32 $0x200, s17;
	_ =	sdelay $0x1  }
0x22: {  	_ =	swait.ge [sflag:s9], $0x80  }
0x23: {  	[sflag:s9] =	ssyncset.done $0x0;
	s16 =	sadd.s32 $0x1, s16  }
0x24: {  	[sflag:s9] =	ssyncadd.s32 $0xFFFFFF80;
	p0 =	sne.s32 s16, s8  }
.Ltmp1:
0x25: {  	[bflag:$0x0] =	sbarrier.arrive $0xFFFF;
	(pc) =	sbr.rel @p0 .LBB2_1-.Ltmp1, $4  }
0x26: {  	[hbm:s7@s14], [sflag:s11] =	dma.strided [spmem:s12@s15], $0x50, s9, $0x10   }
0x27: {  	_ =	swait.ge [sflag:s9], $0x50  }
0x28: {  	[sflag:s9] =	ssyncset.done $0x0  }
0x29: {  	[sflag:s9] =	ssyncadd.s32 $0xFFFFFFB0  }
0x2a: {  	_ =	sfence.sel $0x180000  }
0x2b: {  	[bflag:$0x0] =	sbarrier.arrive $0xFFFF  }
0x2c: {  	p0 =	sne.s32 s0, $0x0;
	_ =	strace $0x90000047  }
0x2d: {  	s0 =	sadd.s32 @!p0 $0x100000, s1;
	[bflag:$0x2] =	sbarrier.arrive $0xFFFF  }
0x2e: {  	[sflag:s0] =	ssyncadd.tile.s32 @!p0 $0x1;
	_ =	shalt  }
.Lfunc_end2:
_tile_overlayer_lowered:
.L_overlay_start_2:
0x2f: {  	(tag) =	ssettag $0x2  }
0x30: {  	s0 =	rddreg [dreg:$0x0];
	s2 =	stileid.u32  }
0x31: {  	s1 =	rddreg [dreg:$0x1];
	p0 =	sne.s32 s2, $0x0  }
0x32: {  	s3 =	rddreg [dreg:$0x2];
	[bflag:$0x3] =	sbarrier.arrive $0xFFFF;
	s2 =	simm.s32 @!p0 $0x1C01  }
0x33: {  	[timem:s3], [sflag:s2] =	dma.local @!p0 [hbm:s0], s1  }
0x34: {  	s0 =	simm.s32 @!p0 $0x1  }
0x35: {  	_ =	swait.ge @!p0 [sflag:s0], s1  }
0x36: {  	s1 =	ssub.s32 @!p0 $0x0, s1;
	[sflag:s0] =	ssyncset.done @!p0 $0x0  }
0x37: {  	[sflag:s0] =	ssyncadd.s32 @!p0 s1  }
0x38: {  	[bflag:$0x3] =	sbarrier.arrive $0xFFFF  }
0x39: {  	_ =	shalt  }

</sc_bundles>
